<compile_context>
chip_gen: v7x
topology: tpu7x:2x2x1
jax: 0.10.2.dev20260603
libtpu: 0.0.44.dev20260713+nightly
codegen_flags: <defaults>
</compile_context>

<pallas_src>
import jax
import jax.numpy as jnp
from jax import lax
from jax.experimental import pallas as pl
from jax.experimental.pallas import tpu as pltpu
from jax.experimental.pallas import tpu_sc as plsc

_L = 16
_NW = 32
_CW = 8
_ZW = 16
_NB = 4
_BIG = 2**30


def _sc_body(x_hbm, mask_hbm, out_hbm,
             mask_v, aidx, iidx, zbuf, bufs, gsem, ssem, zsem, msem):
    nrows = x_hbm.shape[0]
    srows = mask_hbm.shape[0]
    rpw = nrows // _NW
    wpb = srows // rpw
    wid = lax.axis_index("s") * 2 + lax.axis_index("c")
    base = wid * rpw
    mb = lax.rem(wid, wpb) * rpw

    mcopy = pltpu.async_copy(mask_hbm.at[pl.ds(mb, rpw)], mask_v, msem)

    zrow = jnp.zeros((_L,), jnp.float32)

    def zfill(t, carry):
        for r in range(_ZW):
            zbuf[r, pl.ds(t * _L, _L)] = zrow
        return carry

    lax.fori_loop(0, zbuf.shape[1] // _L, zfill, jnp.int32(0))
    mcopy.wait()

    iota = lax.iota(jnp.int32, _L)

    def part_body(j, carry):
        na, ni, a0, z0, zf = carry
        mv = mask_v[pl.ds(j * _L, _L)]
        act = mv != 0.0
        gidx = base + j * _L + iota
        acti = act.astype(jnp.int32)
        cs = jnp.cumsum(acti)
        oa = na + cs - 1
        oi = ni + iota - cs
        plsc.store_scatter(
            aidx, [lax.shift_right_arithmetic(oa, 3), oa & (_CW - 1)],
            gidx, mask=act)
        plsc.store_scatter(
            iidx, [lax.shift_right_arithmetic(oi, 4), oi & (_ZW - 1)],
            gidx, mask=jnp.logical_not(act))
        cnt = jnp.sum(acti)
        big = jnp.full((_L,), _BIG, jnp.int32)
        a0 = jnp.minimum(a0, jnp.min(jnp.where(act, gidx, big)))
        z0 = jnp.minimum(z0, jnp.min(jnp.where(act, big, gidx)))
        ni = ni + (_L - cnt)
        nzc = lax.shift_right_logical(ni, 4)

        @pl.when(zf < nzc)
        def _():
            pltpu.async_copy(zbuf, out_hbm.at[iidx.at[zf]], zsem)

        @pl.when(zf + 1 < nzc)
        def _():
            pltpu.async_copy(zbuf, out_hbm.at[iidx.at[zf + 1]], zsem)
        return na + cnt, ni, a0, z0, jnp.minimum(nzc, zf + 2)

    na, ni, a0, z0, zf = lax.fori_loop(
        0, rpw // _L, part_body,
        (jnp.int32(0), jnp.int32(0), jnp.int32(_BIG), jnp.int32(_BIG),
         jnp.int32(0)))

    zeros16 = jnp.zeros((_L,), jnp.int32)
    for off in (0, _L):
        oa = na + off + iota
        plsc.store_scatter(
            aidx, [lax.shift_right_arithmetic(oa, 3), oa & (_CW - 1)],
            zeros16 + a0)
    oi = ni + iota
    plsc.store_scatter(
        iidx, [lax.shift_right_arithmetic(oi, 4), oi & (_ZW - 1)],
        zeros16 + z0)

    nic = lax.shift_right_logical(ni + (_ZW - 1), 4)
    nat = lax.shift_right_logical(na + (_NB * _CW - 1), 5)

    def zfire(c, carry):
        pltpu.async_copy(zbuf, out_hbm.at[iidx.at[c]], zsem)
        return carry

    lax.fori_loop(zf, nic, zfire, jnp.int32(0))

    def act_body(p, carry):
        c = _NB * p

        @pl.when(p > 0)
        def _():
            for q in range(_NB):
                pltpu.make_async_copy(
                    bufs.at[q], out_hbm.at[aidx.at[0]], ssem[q]).wait()
        handles = []
        for q in range(_NB):
            handles.append(pltpu.async_copy(
                x_hbm.at[aidx.at[c + q]], bufs.at[q], gsem[q]))
        for q in range(_NB):
            handles[q].wait()
            pltpu.async_copy(bufs.at[q], out_hbm.at[aidx.at[c + q]], ssem[q])
        return carry

    lax.fori_loop(0, nat, act_body, jnp.int32(0))

    @pl.when(nat > 0)
    def _():
        for q in range(_NB):
            pltpu.make_async_copy(
                bufs.at[q], out_hbm.at[aidx.at[0]], ssem[q]).wait()

    def zdrain(c, carry):
        pltpu.make_async_copy(zbuf, out_hbm.at[iidx.at[0]], zsem).wait()
        return carry

    lax.fori_loop(0, nic, zdrain, jnp.int32(0))


def kernel(x, mask):
    B, S, D = x.shape
    N = B * S
    x2 = x.reshape(N, D)
    rpw = N // _NW
    nch = rpw // _CW + 2
    nchz = rpw // _ZW + 1
    mesh = plsc.VectorSubcoreMesh(core_axis_name="c", subcore_axis_name="s")
    k = pl.kernel(
        _sc_body,
        out_type=jax.ShapeDtypeStruct((N, D), x.dtype),
        mesh=mesh,
        compiler_params=pltpu.CompilerParams(needs_layout_passes=False),
        scratch_types=[
            pltpu.VMEM((rpw,), jnp.float32),
            pltpu.VMEM((nch, _CW), jnp.int32),
            pltpu.VMEM((nchz, _ZW), jnp.int32),
            pltpu.VMEM((_ZW, D), jnp.float32),
            pltpu.VMEM((_NB, _CW, D), jnp.float32),
            [pltpu.SemaphoreType.DMA] * _NB,
            [pltpu.SemaphoreType.DMA] * _NB,
            pltpu.SemaphoreType.DMA,
            pltpu.SemaphoreType.DMA,
        ],
    )
    out = k(x2, mask)
    return out.reshape(B, S, D)

# --- scband reference (transcript-rebuilt; emitter-appended) ---
"""Pipeline reference for scband-mask-58351425683882 (READ-ONLY COPY).

The authoritative reference and input builder live on the scoring server;
editing this copy changes nothing except your own understanding.
"""

import jax, jax.numpy as jnp
import numpy as np

AXES = [1]
X_SHAPE = (4, 8192, 2048)
MASK_SHAPE = (8192,)

def setup_inputs(seed: int = 0) -> dict:
    key = jax.random.key(seed)
    k1, k2 = jax.random.split(key)
    x = jax.random.normal(k1, X_SHAPE, dtype=jnp.float32)
    # The original module stores an untrainable binary mask tf.Variable; materialize it here.
    mask = (jax.random.uniform(k2, MASK_SHAPE) < 0.5).astype(jnp.float32)
    return {"x": x, "mask": mask}

def _expand_axes(mask, x_ndim, axes):
    # Faithful to utt.expand_axes: insert size-1 dims at every axis of x NOT in self.__axes__
    # so that mask (defined over self.__axes__) broadcasts against x.
    shape = [1] * x_ndim
    for i, a in enumerate(AXES):
        shape[a] = mask.shape[i] if mask.ndim > 0 else 1
    return jnp.reshape(mask, shape)

def reference(x, mask):
    # Mask.apply(x, is_positive=True): broadcast the binary mask along the non-selected axes
    # and multiply elementwise (x_new = x * mask).
    m = _expand_axes(mask, x.ndim, AXES)
    x_new = x * m
    return x_new

if __name__ == "__main__":
    import jax
    _d = setup_inputs()
    print(jax.jit(kernel)(*tuple(_d.values())))

</pallas_src>

<mosaic_0001>
#map = affine_map<(d0, d1) -> (0, 0)>
#map1 = affine_map<(d0, d1) -> (0)>
module attributes {stable_mosaic.version = 14 : i64} {
  func.func @_sc_body(%arg0: i32, %arg1: i32, %arg2: memref<32768x2048xf32, #tpu.memory_space<hbm>>, %arg3: memref<8192xf32, #tpu.memory_space<hbm>>, %arg4: memref<32768x2048xf32, #tpu.memory_space<hbm>>, %arg5: memref<1024xf32, #tpu.memory_space<vmem>>, %arg6: memref<130x8xi32, #tpu.memory_space<vmem>>, %arg7: memref<65x16xi32, #tpu.memory_space<vmem>>, %arg8: memref<16x2048xf32, #tpu.memory_space<vmem>>, %arg9: memref<4x8x2048xf32, #tpu.memory_space<vmem>>, %arg10: memref<!tpu.dma_semaphore, #tpu.memory_space<semaphore_mem>>, %arg11: memref<!tpu.dma_semaphore, #tpu.memory_space<semaphore_mem>>, %arg12: memref<!tpu.dma_semaphore, #tpu.memory_space<semaphore_mem>>, %arg13: memref<!tpu.dma_semaphore, #tpu.memory_space<semaphore_mem>>, %arg14: memref<!tpu.dma_semaphore, #tpu.memory_space<semaphore_mem>>, %arg15: memref<!tpu.dma_semaphore, #tpu.memory_space<semaphore_mem>>, %arg16: memref<!tpu.dma_semaphore, #tpu.memory_space<semaphore_mem>>, %arg17: memref<!tpu.dma_semaphore, #tpu.memory_space<semaphore_mem>>, %arg18: memref<!tpu.dma_semaphore, #tpu.memory_space<semaphore_mem>>, %arg19: memref<!tpu.dma_semaphore, #tpu.memory_space<semaphore_mem>>) attributes {dimension_semantics = [#tpu.dimension_semantics<core_parallel>, #tpu.dimension_semantics<subcore_parallel>], iteration_bounds = array<i64: 2, 16>, scalar_prefetch = 0 : i64, scratch_operands = 15 : i64, tpu.core_type = #tpu.core_type<sc_vector_subcore>, window_params = [{transform_indices = #map}, {transform_indices = #map1}, {transform_indices = #map}]} {
    %mul3A = arith.constant 2 : i32
    %mul3A_0 = arith.muli %arg1, %mul3A : i32
    %add3A = arith.addi %mul3A_0, %arg0 : i32
    %mul3A_1 = arith.constant 1024 : i32
    %mul3A_2 = arith.muli %add3A, %mul3A_1 : i32
    %rem3A = arith.constant 8 : i32
    %rem3A_3 = arith.remsi %add3A, %rem3A : i32
    %mul3A_4 = arith.constant 1024 : i32
    %mul3A_5 = arith.muli %rem3A_3, %mul3A_4 : i32
    %dma_start3A = tpu.memref_slice %arg3[%mul3A_5] : memref<8192xf32, #tpu.memory_space<hbm>> -> memref<1024xf32, #tpu.memory_space<hbm>>
    %dma_start3A_6 = tpu.memref_slice %arg3[%mul3A_5] : memref<8192xf32, #tpu.memory_space<hbm>> -> memref<1024xf32, #tpu.memory_space<hbm>>
    tpu.enqueue_dma source(%dma_start3A_6 : memref<1024xf32, #tpu.memory_space<hbm>>) target(%arg5 : memref<1024xf32, #tpu.memory_space<vmem>>) target_semaphore(%arg19 : memref<!tpu.dma_semaphore, #tpu.memory_space<semaphore_mem>>)
    %broadcast_in_dim3A = arith.constant 0.000000e+00 : f32
    %broadcast_in_dim3A_7 = vector.broadcast %broadcast_in_dim3A : f32 to vector<16xf32>
    %scan3A = arith.constant 0 : i32
    %scan3A_8 = arith.constant 0 : i32
    %scan3A_9 = arith.constant 128 : i32
    %scan3A_10 = arith.addi %scan3A_8, %scan3A_9 : i32
    %scan3A_11 = arith.constant 1 : i32
    scf.for %scan3A_96 = %scan3A_8 to %scan3A_10 step %scan3A_11  : i32 {
      %mul3A_97 = arith.constant 16 : i32
      %mul3A_98 = arith.muli %scan3A_96, %mul3A_97 : i32
      %swap3A = arith.constant 0 : i32
      %swap3A_99 = arith.index_cast %swap3A : i32 to index
      %swap3A_100 = arith.index_cast %mul3A_98 : i32 to index
      %swap3A_101 = tpu.vector_load %arg8[%swap3A_99, %swap3A_100] {strides = array<i32>} : memref<16x2048xf32, #tpu.memory_space<vmem>>, vector<16xf32>,
      tpu.vector_store %arg8[%swap3A_99, %swap3A_100], %broadcast_in_dim3A_7 {strides = array<i32>} : memref<16x2048xf32, #tpu.memory_space<vmem>>, vector<16xf32>,
      %mul3A_102 = arith.constant 16 : i32
      %mul3A_103 = arith.muli %scan3A_96, %mul3A_102 : i32
      %swap3A_104 = arith.constant 1 : i32
      %swap3A_105 = arith.index_cast %swap3A_104 : i32 to index
      %swap3A_106 = arith.index_cast %mul3A_103 : i32 to index
      %swap3A_107 = tpu.vector_load %arg8[%swap3A_105, %swap3A_106] {strides = array<i32>} : memref<16x2048xf32, #tpu.memory_space<vmem>>, vector<16xf32>,
      tpu.vector_store %arg8[%swap3A_105, %swap3A_106], %broadcast_in_dim3A_7 {strides = array<i32>} : memref<16x2048xf32, #tpu.memory_space<vmem>>, vector<16xf32>,
      %mul3A_108 = arith.constant 16 : i32
      %mul3A_109 = arith.muli %scan3A_96, %mul3A_108 : i32
      %swap3A_110 = arith.constant 2 : i32
      %swap3A_111 = arith.index_cast %swap3A_110 : i32 to index
      %swap3A_112 = arith.index_cast %mul3A_109 : i32 to index
      %swap3A_113 = tpu.vector_load %arg8[%swap3A_111, %swap3A_112] {strides = array<i32>} : memref<16x2048xf32, #tpu.memory_space<vmem>>, vector<16xf32>,
      tpu.vector_store %arg8[%swap3A_111, %swap3A_112], %broadcast_in_dim3A_7 {strides = array<i32>} : memref<16x2048xf32, #tpu.memory_space<vmem>>, vector<16xf32>,
      %mul3A_114 = arith.constant 16 : i32
      %mul3A_115 = arith.muli %scan3A_96, %mul3A_114 : i32
      %swap3A_116 = arith.constant 3 : i32
      %swap3A_117 = arith.index_cast %swap3A_116 : i32 to index
      %swap3A_118 = arith.index_cast %mul3A_115 : i32 to index
      %swap3A_119 = tpu.vector_load %arg8[%swap3A_117, %swap3A_118] {strides = array<i32>} : memref<16x2048xf32, #tpu.memory_space<vmem>>, vector<16xf32>,
      tpu.vector_store %arg8[%swap3A_117, %swap3A_118], %broadcast_in_dim3A_7 {strides = array<i32>} : memref<16x2048xf32, #tpu.memory_space<vmem>>, vector<16xf32>,
      %mul3A_120 = arith.constant 16 : i32
      %mul3A_121 = arith.muli %scan3A_96, %mul3A_120 : i32
      %swap3A_122 = arith.constant 4 : i32
      %swap3A_123 = arith.index_cast %swap3A_122 : i32 to index
      %swap3A_124 = arith.index_cast %mul3A_121 : i32 to index
      %swap3A_125 = tpu.vector_load %arg8[%swap3A_123, %swap3A_124] {strides = array<i32>} : memref<16x2048xf32, #tpu.memory_space<vmem>>, vector<16xf32>,
      tpu.vector_store %arg8[%swap3A_123, %swap3A_124], %broadcast_in_dim3A_7 {strides = array<i32>} : memref<16x2048xf32, #tpu.memory_space<vmem>>, vector<16xf32>,
      %mul3A_126 = arith.constant 16 : i32
      %mul3A_127 = arith.muli %scan3A_96, %mul3A_126 : i32
      %swap3A_128 = arith.constant 5 : i32
      %swap3A_129 = arith.index_cast %swap3A_128 : i32 to index
      %swap3A_130 = arith.index_cast %mul3A_127 : i32 to index
      %swap3A_131 = tpu.vector_load %arg8[%swap3A_129, %swap3A_130] {strides = array<i32>} : memref<16x2048xf32, #tpu.memory_space<vmem>>, vector<16xf32>,
      tpu.vector_store %arg8[%swap3A_129, %swap3A_130], %broadcast_in_dim3A_7 {strides = array<i32>} : memref<16x2048xf32, #tpu.memory_space<vmem>>, vector<16xf32>,
      %mul3A_132 = arith.constant 16 : i32
      %mul3A_133 = arith.muli %scan3A_96, %mul3A_132 : i32
      %swap3A_134 = arith.constant 6 : i32
      %swap3A_135 = arith.index_cast %swap3A_134 : i32 to index
      %swap3A_136 = arith.index_cast %mul3A_133 : i32 to index
      %swap3A_137 = tpu.vector_load %arg8[%swap3A_135, %swap3A_136] {strides = array<i32>} : memref<16x2048xf32, #tpu.memory_space<vmem>>, vector<16xf32>,
      tpu.vector_store %arg8[%swap3A_135, %swap3A_136], %broadcast_in_dim3A_7 {strides = array<i32>} : memref<16x2048xf32, #tpu.memory_space<vmem>>, vector<16xf32>,
      %mul3A_138 = arith.constant 16 : i32
      %mul3A_139 = arith.muli %scan3A_96, %mul3A_138 : i32
      %swap3A_140 = arith.constant 7 : i32
      %swap3A_141 = arith.index_cast %swap3A_140 : i32 to index
      %swap3A_142 = arith.index_cast %mul3A_139 : i32 to index
      %swap3A_143 = tpu.vector_load %arg8[%swap3A_141, %swap3A_142] {strides = array<i32>} : memref<16x2048xf32, #tpu.memory_space<vmem>>, vector<16xf32>,
      tpu.vector_store %arg8[%swap3A_141, %swap3A_142], %broadcast_in_dim3A_7 {strides = array<i32>} : memref<16x2048xf32, #tpu.memory_space<vmem>>, vector<16xf32>,
      %mul3A_144 = arith.constant 16 : i32
      %mul3A_145 = arith.muli %scan3A_96, %mul3A_144 : i32
      %swap3A_146 = arith.constant 8 : i32
      %swap3A_147 = arith.index_cast %swap3A_146 : i32 to index
      %swap3A_148 = arith.index_cast %mul3A_145 : i32 to index
      %swap3A_149 = tpu.vector_load %arg8[%swap3A_147, %swap3A_148] {strides = array<i32>} : memref<16x2048xf32, #tpu.memory_space<vmem>>, vector<16xf32>,
      tpu.vector_store %arg8[%swap3A_147, %swap3A_148], %broadcast_in_dim3A_7 {strides = array<i32>} : memref<16x2048xf32, #tpu.memory_space<vmem>>, vector<16xf32>,
      %mul3A_150 = arith.constant 16 : i32
      %mul3A_151 = arith.muli %scan3A_96, %mul3A_150 : i32
      %swap3A_152 = arith.constant 9 : i32
      %swap3A_153 = arith.index_cast %swap3A_152 : i32 to index
      %swap3A_154 = arith.index_cast %mul3A_151 : i32 to index
      %swap3A_155 = tpu.vector_load %arg8[%swap3A_153, %swap3A_154] {strides = array<i32>} : memref<16x2048xf32, #tpu.memory_space<vmem>>, vector<16xf32>,
      tpu.vector_store %arg8[%swap3A_153, %swap3A_154], %broadcast_in_dim3A_7 {strides = array<i32>} : memref<16x2048xf32, #tpu.memory_space<vmem>>, vector<16xf32>,
      %mul3A_156 = arith.constant 16 : i32
      %mul3A_157 = arith.muli %scan3A_96, %mul3A_156 : i32
      %swap3A_158 = arith.constant 10 : i32
      %swap3A_159 = arith.index_cast %swap3A_158 : i32 to index
      %swap3A_160 = arith.index_cast %mul3A_157 : i32 to index
      %swap3A_161 = tpu.vector_load %arg8[%swap3A_159, %swap3A_160] {strides = array<i32>} : memref<16x2048xf32, #tpu.memory_space<vmem>>, vector<16xf32>,
      tpu.vector_store %arg8[%swap3A_159, %swap3A_160], %broadcast_in_dim3A_7 {strides = array<i32>} : memref<16x2048xf32, #tpu.memory_space<vmem>>, vector<16xf32>,
      %mul3A_162 = arith.constant 16 : i32
      %mul3A_163 = arith.muli %scan3A_96, %mul3A_162 : i32
      %swap3A_164 = arith.constant 11 : i32
      %swap3A_165 = arith.index_cast %swap3A_164 : i32 to index
      %swap3A_166 = arith.index_cast %mul3A_163 : i32 to index
      %swap3A_167 = tpu.vector_load %arg8[%swap3A_165, %swap3A_166] {strides = array<i32>} : memref<16x2048xf32, #tpu.memory_space<vmem>>, vector<16xf32>,
      tpu.vector_store %arg8[%swap3A_165, %swap3A_166], %broadcast_in_dim3A_7 {strides = array<i32>} : memref<16x2048xf32, #tpu.memory_space<vmem>>, vector<16xf32>,
      %mul3A_168 = arith.constant 16 : i32
      %mul3A_169 = arith.muli %scan3A_96, %mul3A_168 : i32
      %swap3A_170 = arith.constant 12 : i32
      %swap3A_171 = arith.index_cast %swap3A_170 : i32 to index
      %swap3A_172 = arith.index_cast %mul3A_169 : i32 to index
      %swap3A_173 = tpu.vector_load %arg8[%swap3A_171, %swap3A_172] {strides = array<i32>} : memref<16x2048xf32, #tpu.memory_space<vmem>>, vector<16xf32>,
      tpu.vector_store %arg8[%swap3A_171, %swap3A_172], %broadcast_in_dim3A_7 {strides = array<i32>} : memref<16x2048xf32, #tpu.memory_space<vmem>>, vector<16xf32>,
      %mul3A_174 = arith.constant 16 : i32
      %mul3A_175 = arith.muli %scan3A_96, %mul3A_174 : i32
      %swap3A_176 = arith.constant 13 : i32
      %swap3A_177 = arith.index_cast %swap3A_176 : i32 to index
      %swap3A_178 = arith.index_cast %mul3A_175 : i32 to index
      %swap3A_179 = tpu.vector_load %arg8[%swap3A_177, %swap3A_178] {strides = array<i32>} : memref<16x2048xf32, #tpu.memory_space<vmem>>, vector<16xf32>,
      tpu.vector_store %arg8[%swap3A_177, %swap3A_178], %broadcast_in_dim3A_7 {strides = array<i32>} : memref<16x2048xf32, #tpu.memory_space<vmem>>, vector<16xf32>,
      %mul3A_180 = arith.constant 16 : i32
      %mul3A_181 = arith.muli %scan3A_96, %mul3A_180 : i32
      %swap3A_182 = arith.constant 14 : i32
      %swap3A_183 = arith.index_cast %swap3A_182 : i32 to index
      %swap3A_184 = arith.index_cast %mul3A_181 : i32 to index
      %swap3A_185 = tpu.vector_load %arg8[%swap3A_183, %swap3A_184] {strides = array<i32>} : memref<16x2048xf32, #tpu.memory_space<vmem>>, vector<16xf32>,
      tpu.vector_store %arg8[%swap3A_183, %swap3A_184], %broadcast_in_dim3A_7 {strides = array<i32>} : memref<16x2048xf32, #tpu.memory_space<vmem>>, vector<16xf32>,
      %mul3A_186 = arith.constant 16 : i32
      %mul3A_187 = arith.muli %scan3A_96, %mul3A_186 : i32
      %swap3A_188 = arith.constant 15 : i32
      %swap3A_189 = arith.index_cast %swap3A_188 : i32 to index
      %swap3A_190 = arith.index_cast %mul3A_187 : i32 to index
      %swap3A_191 = tpu.vector_load %arg8[%swap3A_189, %swap3A_190] {strides = array<i32>} : memref<16x2048xf32, #tpu.memory_space<vmem>>, vector<16xf32>,
      tpu.vector_store %arg8[%swap3A_189, %swap3A_190], %broadcast_in_dim3A_7 {strides = array<i32>} : memref<16x2048xf32, #tpu.memory_space<vmem>>, vector<16xf32>,
    }
    %scan3A_12 = arith.constant 128 : i32
    %dma_wait3A = tpu.memref_slice %arg3[%mul3A_5] : memref<8192xf32, #tpu.memory_space<hbm>> -> memref<1024xf32, #tpu.memory_space<hbm>>
    %dma_wait3A_13 = tpu.memref_slice %arg3[%mul3A_5] : memref<8192xf32, #tpu.memory_space<hbm>> -> memref<1024xf32, #tpu.memory_space<hbm>>
    tpu.wait_dma2 semaphore(%arg19 : memref<!tpu.dma_semaphore, #tpu.memory_space<semaphore_mem>>) src(%dma_wait3A_13 : memref<1024xf32, #tpu.memory_space<hbm>>) dst(%arg5 : memref<1024xf32, #tpu.memory_space<vmem>>)
    %iota3A = tpu.iota {dimensions = array<i32: 0>} : vector<16xi32>
    %scan3A_14 = arith.constant 0 : i32
    %scan3A_15 = arith.constant 0 : i32
    %scan3A_16 = arith.constant 1073741824 : i32
    %scan3A_17 = arith.constant 1073741824 : i32
    %scan3A_18 = arith.constant 0 : i32
    %scan3A_19 = arith.constant 0 : i32
    %scan3A_20 = arith.constant 64 : i32
    %scan3A_21 = arith.addi %scan3A_19, %scan3A_20 : i32
    %scan3A_22 = arith.constant 1 : i32
    %scan3A_23:5 = scf.for %scan3A_96 = %scan3A_19 to %scan3A_21 step %scan3A_22 iter_args(%scan3A_97 = %scan3A_14, %scan3A_98 = %scan3A_15, %scan3A_99 = %scan3A_16, %scan3A_100 = %scan3A_17, %scan3A_101 = %scan3A_18) -> (i32, i32, i32, i32, i32)  : i32 {
      %mul3A_102 = arith.constant 16 : i32
      %mul3A_103 = arith.muli %scan3A_96, %mul3A_102 : i32
      %get3A = arith.index_cast %mul3A_103 : i32 to index
      %get3A_104 = tpu.vector_load %arg5[%get3A] {strides = array<i32>} : memref<1024xf32, #tpu.memory_space<vmem>>, vector<16xf32>,
      %ne3A = arith.constant 0.000000e+00 : f32
      %ne3A_105 = vector.broadcast %ne3A : f32 to vector<16xf32>
      %ne3A_106 = arith.cmpf one, %get3A_104, %ne3A_105 : vector<16xf32>
      %mul3A_107 = arith.constant 16 : i32
      %mul3A_108 = arith.muli %scan3A_96, %mul3A_107 : i32
      %add3A_109 = arith.addi %mul3A_2, %mul3A_108 : i32
      %add3A_110 = vector.broadcast %add3A_109 : i32 to vector<16xi32>
      %add3A_111 = arith.addi %add3A_110, %iota3A : vector<16xi32>
      %convert_element_type3A_112 = arith.extui %ne3A_106 : vector<16xi1> to vector<16xi32>
      %cumsum3A = arith.constant true
      %cumsum3A_113 = vector.broadcast %cumsum3A : i1 to vector<16xi1>
      %cumsum3A_114 = tpu.scan <sum>, %convert_element_type3A_112 masked %cumsum3A_113 : vector<16xi32>, vector<16xi1> -> vector<16xi32>
      %add3A_115 = vector.broadcast %scan3A_97 : i32 to vector<16xi32>
      %add3A_116 = arith.addi %add3A_115, %cumsum3A_114 : vector<16xi32>
      %sub3A = arith.constant 1 : i32
      %sub3A_117 = vector.broadcast %sub3A : i32 to vector<16xi32>
      %sub3A_118 = arith.subi %add3A_116, %sub3A_117 : vector<16xi32>
      %add3A_119 = vector.broadcast %scan3A_98 : i32 to vector<16xi32>
      %add3A_120 = arith.addi %add3A_119, %iota3A : vector<16xi32>
      %sub3A_121 = arith.subi %add3A_120, %cumsum3A_114 : vector<16xi32>
      %shift_right_arithmetic3A_122 = arith.constant 3 : i32
      %shift_right_arithmetic3A_123 = vector.broadcast %shift_right_arithmetic3A_122 : i32 to vector<16xi32>
      %shift_right_arithmetic3A_124 = arith.shrsi %sub3A_118, %shift_right_arithmetic3A_123 : vector<16xi32>
      %and3A_125 = arith.constant 7 : i32
      %and3A_126 = vector.broadcast %and3A_125 : i32 to vector<16xi32>
      %and3A_127 = arith.andi %sub3A_118, %and3A_126 : vector<16xi32>
      tpu.vector_store_idx %arg6[%shift_right_arithmetic3A_124, %and3A_127], %add3A_111 masked %ne3A_106 : memref<130x8xi32, #tpu.memory_space<vmem>>[vector<16xi32>, vector<16xi32>], vector<16xi32>, vector<16xi1>
      %shift_right_arithmetic3A_128 = arith.constant 4 : i32
      %shift_right_arithmetic3A_129 = vector.broadcast %shift_right_arithmetic3A_128 : i32 to vector<16xi32>
      %shift_right_arithmetic3A_130 = arith.shrsi %sub3A_121, %shift_right_arithmetic3A_129 : vector<16xi32>
      %and3A_131 = arith.constant 15 : i32
      %and3A_132 = vector.broadcast %and3A_131 : i32 to vector<16xi32>
      %and3A_133 = arith.andi %sub3A_121, %and3A_132 : vector<16xi32>
      %not3A = arith.constant dense<true> : vector<16xi1>
      %not3A_134 = arith.xori %ne3A_106, %not3A : vector<16xi1>
      tpu.vector_store_idx %arg7[%shift_right_arithmetic3A_130, %and3A_133], %add3A_111 masked %not3A_134 : memref<65x16xi32, #tpu.memory_space<vmem>>[vector<16xi32>, vector<16xi32>], vector<16xi32>, vector<16xi1>
      %reduce_sum3A = arith.constant true
      %reduce_sum3A_135 = vector.broadcast %reduce_sum3A : i1 to vector<16xi1>
      %reduce_sum3A_136 = tpu.scan <sum>, %convert_element_type3A_112 masked %reduce_sum3A_135 : vector<16xi32>, vector<16xi1> -> vector<16xi32>
      %reduce_sum3A_137 = vector.extract %reduce_sum3A_136[15] : i32 from vector<16xi32>
      %broadcast_in_dim3A_138 = arith.constant 1073741824 : i32
      %broadcast_in_dim3A_139 = vector.broadcast %broadcast_in_dim3A_138 : i32 to vector<16xi32>
      %select_n3A = arith.select %ne3A_106, %add3A_111, %broadcast_in_dim3A_139 : vector<16xi1>, vector<16xi32>
      %reduce_min3A = arith.constant true
      %reduce_min3A_140 = vector.broadcast %reduce_min3A : i1 to vector<16xi1>
      %reduce_min3A_141 = arith.constant -2147483648 : i32
      %reduce_min3A_142 = vector.broadcast %reduce_min3A_141 : i32 to vector<16xi32>
      %reduce_min3A_143 = arith.xori %select_n3A, %reduce_min3A_142 : vector<16xi32>
      %reduce_min3A_144 = tpu.scan <min>, %reduce_min3A_143 masked %reduce_min3A_140 : vector<16xi32>, vector<16xi1> -> vector<16xi32>
      %reduce_min3A_145 = arith.xori %reduce_min3A_144, %reduce_min3A_142 : vector<16xi32>
      %reduce_min3A_146 = vector.extract %reduce_min3A_145[15] : i32 from vector<16xi32>
      %min3A = arith.minsi %scan3A_99, %reduce_min3A_146 : i32
      %select_n3A_147 = arith.select %ne3A_106, %broadcast_in_dim3A_139, %add3A_111 : vector<16xi1>, vector<16xi32>
      %reduce_min3A_148 = arith.constant true
      %reduce_min3A_149 = vector.broadcast %reduce_min3A_148 : i1 to vector<16xi1>
      %reduce_min3A_150 = arith.constant -2147483648 : i32
      %reduce_min3A_151 = vector.broadcast %reduce_min3A_150 : i32 to vector<16xi32>
      %reduce_min3A_152 = arith.xori %select_n3A_147, %reduce_min3A_151 : vector<16xi32>
      %reduce_min3A_153 = tpu.scan <min>, %reduce_min3A_152 masked %reduce_min3A_149 : vector<16xi32>, vector<16xi1> -> vector<16xi32>
      %reduce_min3A_154 = arith.xori %reduce_min3A_153, %reduce_min3A_151 : vector<16xi32>
      %reduce_min3A_155 = vector.extract %reduce_min3A_154[15] : i32 from vector<16xi32>
      %min3A_156 = arith.minsi %scan3A_100, %reduce_min3A_155 : i32
      %sub3A_157 = arith.constant 16 : i32
      %sub3A_158 = arith.subi %sub3A_157, %reduce_sum3A_137 : i32
      %add3A_159 = arith.addi %scan3A_98, %sub3A_158 : i32
      %shift_right_logical3A_160 = arith.constant 4 : i32
      %shift_right_logical3A_161 = arith.shrui %add3A_159, %shift_right_logical3A_160 : i32
      %lt3A = arith.cmpi slt, %scan3A_101, %shift_right_logical3A_161 : i32
      %convert_element_type3A_162 = arith.extui %lt3A : i1 to i32
      %cond3A_163 = arith.constant 0 : i32
      %cond3A_164 = arith.cmpi ne, %convert_element_type3A_162, %cond3A_163 : i32
      scf.if %cond3A_164 {
        %dma_start3A_175 = arith.constant 0 : i32
        %dma_start3A_176 = tpu.memref_slice %arg7[%scan3A_101, %dma_start3A_175] : memref<65x16xi32, #tpu.memory_space<vmem>> -> memref<1x16xi32, #tpu.memory_space<vmem>>
        %dma_start3A_177 = tpu.memref_squeeze %dma_start3A_176 : memref<1x16xi32, #tpu.memory_space<vmem>> -> memref<16xi32, #tpu.memory_space<vmem>>
        %dma_start3A_178 = arith.constant 0 : i32
        %dma_start3A_179 = arith.constant 0 : i32
        %dma_start3A_180 = tpu.memref_slice %arg4[%dma_start3A_178, %dma_start3A_179] : memref<32768x2048xf32, #tpu.memory_space<hbm>> -> memref<32768x2048xf32, #tpu.memory_space<hbm>>
        tpu.enqueue_indirect_dma source(%arg8 : memref<16x2048xf32, #tpu.memory_space<vmem>>) target(%dma_start3A_180 : memref<32768x2048xf32, #tpu.memory_space<hbm>>) offsets(%dma_start3A_177 : memref<16xi32, #tpu.memory_space<vmem>>) semaphore(%arg18 : memref<!tpu.dma_semaphore, #tpu.memory_space<semaphore_mem>>)
      } else {
      }
      %add3A_165 = arith.constant 1 : i32
      %add3A_166 = arith.addi %scan3A_101, %add3A_165 : i32
      %lt3A_167 = arith.cmpi slt, %add3A_166, %shift_right_logical3A_161 : i32
      %convert_element_type3A_168 = arith.extui %lt3A_167 : i1 to i32
      %cond3A_169 = arith.constant 0 : i32
      %cond3A_170 = arith.cmpi ne, %convert_element_type3A_168, %cond3A_169 : i32
      scf.if %cond3A_170 {
        %add3A_175 = arith.constant 1 : i32
        %add3A_176 = arith.addi %scan3A_101, %add3A_175 : i32
        %dma_start3A_177 = arith.constant 0 : i32
        %dma_start3A_178 = tpu.memref_slice %arg7[%add3A_176, %dma_start3A_177] : memref<65x16xi32, #tpu.memory_space<vmem>> -> memref<1x16xi32, #tpu.memory_space<vmem>>
        %dma_start3A_179 = tpu.memref_squeeze %dma_start3A_178 : memref<1x16xi32, #tpu.memory_space<vmem>> -> memref<16xi32, #tpu.memory_space<vmem>>
        %dma_start3A_180 = arith.constant 0 : i32
        %dma_start3A_181 = arith.constant 0 : i32
        %dma_start3A_182 = tpu.memref_slice %arg4[%dma_start3A_180, %dma_start3A_181] : memref<32768x2048xf32, #tpu.memory_space<hbm>> -> memref<32768x2048xf32, #tpu.memory_space<hbm>>
        tpu.enqueue_indirect_dma source(%arg8 : memref<16x2048xf32, #tpu.memory_space<vmem>>) target(%dma_start3A_182 : memref<32768x2048xf32, #tpu.memory_space<hbm>>) offsets(%dma_start3A_179 : memref<16xi32, #tpu.memory_space<vmem>>) semaphore(%arg18 : memref<!tpu.dma_semaphore, #tpu.memory_space<semaphore_mem>>)
      } else {
      }
      %add3A_171 = arith.addi %scan3A_97, %reduce_sum3A_137 : i32
      %add3A_172 = arith.constant 2 : i32
      %add3A_173 = arith.addi %scan3A_101, %add3A_172 : i32
      %min3A_174 = arith.minsi %shift_right_logical3A_161, %add3A_173 : i32
      scf.yield %add3A_171, %add3A_159, %min3A, %min3A_156, %min3A_174 : i32, i32, i32, i32, i32
    }
    %scan3A_24 = arith.constant 64 : i32
    %broadcast_in_dim3A_25 = arith.constant 0 : i32
    %broadcast_in_dim3A_26 = vector.broadcast %broadcast_in_dim3A_25 : i32 to vector<16xi32>
    %add3A_27 = arith.constant 0 : i32
    %add3A_28 = arith.addi %scan3A_23#0, %add3A_27 : i32
    %add3A_29 = vector.broadcast %add3A_28 : i32 to vector<16xi32>
    %add3A_30 = arith.addi %add3A_29, %iota3A : vector<16xi32>
    %shift_right_arithmetic3A = arith.constant 3 : i32
    %shift_right_arithmetic3A_31 = vector.broadcast %shift_right_arithmetic3A : i32 to vector<16xi32>
    %shift_right_arithmetic3A_32 = arith.shrsi %add3A_30, %shift_right_arithmetic3A_31 : vector<16xi32>
    %and3A = arith.constant 7 : i32
    %and3A_33 = vector.broadcast %and3A : i32 to vector<16xi32>
    %and3A_34 = arith.andi %add3A_30, %and3A_33 : vector<16xi32>
    %add3A_35 = vector.broadcast %scan3A_23#2 : i32 to vector<16xi32>
    %add3A_36 = arith.addi %broadcast_in_dim3A_26, %add3A_35 : vector<16xi32>
    tpu.vector_store_idx %arg6[%shift_right_arithmetic3A_32, %and3A_34], %add3A_36 : memref<130x8xi32, #tpu.memory_space<vmem>>[vector<16xi32>, vector<16xi32>], vector<16xi32>,
    %add3A_37 = arith.constant 16 : i32
    %add3A_38 = arith.addi %scan3A_23#0, %add3A_37 : i32
    %add3A_39 = vector.broadcast %add3A_38 : i32 to vector<16xi32>
    %add3A_40 = arith.addi %add3A_39, %iota3A : vector<16xi32>
    %shift_right_arithmetic3A_41 = arith.constant 3 : i32
    %shift_right_arithmetic3A_42 = vector.broadcast %shift_right_arithmetic3A_41 : i32 to vector<16xi32>
    %shift_right_arithmetic3A_43 = arith.shrsi %add3A_40, %shift_right_arithmetic3A_42 : vector<16xi32>
    %and3A_44 = arith.constant 7 : i32
    %and3A_45 = vector.broadcast %and3A_44 : i32 to vector<16xi32>
    %and3A_46 = arith.andi %add3A_40, %and3A_45 : vector<16xi32>
    %add3A_47 = vector.broadcast %scan3A_23#2 : i32 to vector<16xi32>
    %add3A_48 = arith.addi %broadcast_in_dim3A_26, %add3A_47 : vector<16xi32>
    tpu.vector_store_idx %arg6[%shift_right_arithmetic3A_43, %and3A_46], %add3A_48 : memref<130x8xi32, #tpu.memory_space<vmem>>[vector<16xi32>, vector<16xi32>], vector<16xi32>,
    %add3A_49 = vector.broadcast %scan3A_23#1 : i32 to vector<16xi32>
    %add3A_50 = arith.addi %add3A_49, %iota3A : vector<16xi32>
    %shift_right_arithmetic3A_51 = arith.constant 4 : i32
    %shift_right_arithmetic3A_52 = vector.broadcast %shift_right_arithmetic3A_51 : i32 to vector<16xi32>
    %shift_right_arithmetic3A_53 = arith.shrsi %add3A_50, %shift_right_arithmetic3A_52 : vector<16xi32>
    %and3A_54 = arith.constant 15 : i32
    %and3A_55 = vector.broadcast %and3A_54 : i32 to vector<16xi32>
    %and3A_56 = arith.andi %add3A_50, %and3A_55 : vector<16xi32>
    %add3A_57 = vector.broadcast %scan3A_23#3 : i32 to vector<16xi32>
    %add3A_58 = arith.addi %broadcast_in_dim3A_26, %add3A_57 : vector<16xi32>
    tpu.vector_store_idx %arg7[%shift_right_arithmetic3A_53, %and3A_56], %add3A_58 : memref<65x16xi32, #tpu.memory_space<vmem>>[vector<16xi32>, vector<16xi32>], vector<16xi32>,
    %add3A_59 = arith.constant 15 : i32
    %add3A_60 = arith.addi %scan3A_23#1, %add3A_59 : i32
    %shift_right_logical3A = arith.constant 4 : i32
    %shift_right_logical3A_61 = arith.shrui %add3A_60, %shift_right_logical3A : i32
    %add3A_62 = arith.constant 31 : i32
    %add3A_63 = arith.addi %scan3A_23#0, %add3A_62 : i32
    %shift_right_logical3A_64 = arith.constant 5 : i32
    %shift_right_logical3A_65 = arith.shrui %add3A_63, %shift_right_logical3A_64 : i32
    %while3A = arith.constant 0 : i32
    %while3A_66 = arith.subi %shift_right_logical3A_61, %scan3A_23#4 : i32
    %while3A_67 = arith.addi %scan3A_23#4, %while3A_66 : i32
    %while3A_68 = arith.constant 1 : i32
    %while3A_69 = arith.divsi %while3A_66, %while3A_68 : i32
    %while3A_70 = arith.muli %while3A_69, %while3A_68 : i32
    %while3A_71 = arith.addi %scan3A_23#4, %while3A_70 : i32
    %while3A_72 = arith.constant 1 : i32
    scf.for %while3A_96 = %scan3A_23#4 to %while3A_71 step %while3A_72  : i32 {
      %dma_start3A_97 = arith.constant 0 : i32
      %dma_start3A_98 = tpu.memref_slice %arg7[%while3A_96, %dma_start3A_97] : memref<65x16xi32, #tpu.memory_space<vmem>> -> memref<1x16xi32, #tpu.memory_space<vmem>>
      %dma_start3A_99 = tpu.memref_squeeze %dma_start3A_98 : memref<1x16xi32, #tpu.memory_space<vmem>> -> memref<16xi32, #tpu.memory_space<vmem>>
      %dma_start3A_100 = arith.constant 0 : i32
      %dma_start3A_101 = arith.constant 0 : i32
      %dma_start3A_102 = tpu.memref_slice %arg4[%dma_start3A_100, %dma_start3A_101] : memref<32768x2048xf32, #tpu.memory_space<hbm>> -> memref<32768x2048xf32, #tpu.memory_space<hbm>>
      tpu.enqueue_indirect_dma source(%arg8 : memref<16x2048xf32, #tpu.memory_space<vmem>>) target(%dma_start3A_102 : memref<32768x2048xf32, #tpu.memory_space<hbm>>) offsets(%dma_start3A_99 : memref<16xi32, #tpu.memory_space<vmem>>) semaphore(%arg18 : memref<!tpu.dma_semaphore, #tpu.memory_space<semaphore_mem>>)
    }
    %while3A_73 = arith.constant 1 : i32
    scf.for %while3A_96 = %while3A_71 to %while3A_67 step %while3A_73  : i32 {
      %dma_start3A_97 = arith.constant 0 : i32
      %dma_start3A_98 = tpu.memref_slice %arg7[%while3A_96, %dma_start3A_97] : memref<65x16xi32, #tpu.memory_space<vmem>> -> memref<1x16xi32, #tpu.memory_space<vmem>>
      %dma_start3A_99 = tpu.memref_squeeze %dma_start3A_98 : memref<1x16xi32, #tpu.memory_space<vmem>> -> memref<16xi32, #tpu.memory_space<vmem>>
      %dma_start3A_100 = arith.constant 0 : i32
      %dma_start3A_101 = arith.constant 0 : i32
      %dma_start3A_102 = tpu.memref_slice %arg4[%dma_start3A_100, %dma_start3A_101] : memref<32768x2048xf32, #tpu.memory_space<hbm>> -> memref<32768x2048xf32, #tpu.memory_space<hbm>>
      tpu.enqueue_indirect_dma source(%arg8 : memref<16x2048xf32, #tpu.memory_space<vmem>>) target(%dma_start3A_102 : memref<32768x2048xf32, #tpu.memory_space<hbm>>) offsets(%dma_start3A_99 : memref<16xi32, #tpu.memory_space<vmem>>) semaphore(%arg18 : memref<!tpu.dma_semaphore, #tpu.memory_space<semaphore_mem>>)
    }
    %while3A_74 = arith.constant 0 : i32
    %while3A_75 = arith.constant 0 : i32
    %while3A_76 = arith.subi %shift_right_logical3A_65, %while3A_75 : i32
    %while3A_77 = arith.addi %while3A_75, %while3A_76 : i32
    %while3A_78 = arith.constant 1 : i32
    %while3A_79 = arith.divsi %while3A_76, %while3A_78 : i32
    %while3A_80 = arith.muli %while3A_79, %while3A_78 : i32
    %while3A_81 = arith.addi %while3A_75, %while3A_80 : i32
    %while3A_82 = arith.constant 1 : i32
    scf.for %while3A_96 = %while3A_75 to %while3A_81 step %while3A_82  : i32 {
      %mul3A_97 = arith.constant 4 : i32
      %mul3A_98 = arith.muli %mul3A_97, %while3A_96 : i32
      %gt3A_99 = arith.constant 0 : i32
      %gt3A_100 = arith.cmpi sgt, %while3A_96, %gt3A_99 : i32
      %convert_element_type3A_101 = arith.extui %gt3A_100 : i1 to i32
      %cond3A_102 = arith.constant 0 : i32
      %cond3A_103 = arith.cmpi ne, %convert_element_type3A_101, %cond3A_102 : i32
      scf.if %cond3A_103 {
        %dma_wait3A_252 = arith.constant 0 : i32
        %dma_wait3A_253 = arith.constant 0 : i32
        %dma_wait3A_254 = arith.constant 0 : i32
        %dma_wait3A_255 = arith.constant 0 : i32
        %dma_wait3A_256 = tpu.memref_slice %arg9[%dma_wait3A_252, %dma_wait3A_254, %dma_wait3A_255] : memref<4x8x2048xf32, #tpu.memory_space<vmem>> -> memref<1x8x2048xf32, #tpu.memory_space<vmem>>
        %dma_wait3A_257 = tpu.memref_squeeze %dma_wait3A_256 : memref<1x8x2048xf32, #tpu.memory_space<vmem>> -> memref<8x2048xf32, #tpu.memory_space<vmem>>
        %dma_wait3A_258 = arith.constant 0 : i32
        %dma_wait3A_259 = tpu.memref_slice %arg6[%dma_wait3A_253, %dma_wait3A_258] : memref<130x8xi32, #tpu.memory_space<vmem>> -> memref<1x8xi32, #tpu.memory_space<vmem>>
        %dma_wait3A_260 = tpu.memref_squeeze %dma_wait3A_259 : memref<1x8xi32, #tpu.memory_space<vmem>> -> memref<8xi32, #tpu.memory_space<vmem>>
        %dma_wait3A_261 = arith.constant 0 : i32
        %dma_wait3A_262 = arith.constant 0 : i32
        %dma_wait3A_263 = tpu.memref_slice %arg4[%dma_wait3A_261, %dma_wait3A_262] : memref<32768x2048xf32, #tpu.memory_space<hbm>> -> memref<32768x2048xf32, #tpu.memory_space<hbm>>
        tpu.wait_indirect_dma semaphore(%arg14 : memref<!tpu.dma_semaphore, #tpu.memory_space<semaphore_mem>>) src(%dma_wait3A_257 : memref<8x2048xf32, #tpu.memory_space<vmem>>) dst(%dma_wait3A_263 : memref<32768x2048xf32, #tpu.memory_space<hbm>>)
        %dma_wait3A_264 = arith.constant 1 : i32
        %dma_wait3A_265 = arith.constant 0 : i32
        %dma_wait3A_266 = arith.constant 0 : i32
        %dma_wait3A_267 = arith.constant 0 : i32
        %dma_wait3A_268 = tpu.memref_slice %arg9[%dma_wait3A_264, %dma_wait3A_266, %dma_wait3A_267] : memref<4x8x2048xf32, #tpu.memory_space<vmem>> -> memref<1x8x2048xf32, #tpu.memory_space<vmem>>
        %dma_wait3A_269 = tpu.memref_squeeze %dma_wait3A_268 : memref<1x8x2048xf32, #tpu.memory_space<vmem>> -> memref<8x2048xf32, #tpu.memory_space<vmem>>
        %dma_wait3A_270 = arith.constant 0 : i32
        %dma_wait3A_271 = tpu.memref_slice %arg6[%dma_wait3A_265, %dma_wait3A_270] : memref<130x8xi32, #tpu.memory_space<vmem>> -> memref<1x8xi32, #tpu.memory_space<vmem>>
        %dma_wait3A_272 = tpu.memref_squeeze %dma_wait3A_271 : memref<1x8xi32, #tpu.memory_space<vmem>> -> memref<8xi32, #tpu.memory_space<vmem>>
        %dma_wait3A_273 = arith.constant 0 : i32
        %dma_wait3A_274 = arith.constant 0 : i32
        %dma_wait3A_275 = tpu.memref_slice %arg4[%dma_wait3A_273, %dma_wait3A_274] : memref<32768x2048xf32, #tpu.memory_space<hbm>> -> memref<32768x2048xf32, #tpu.memory_space<hbm>>
        tpu.wait_indirect_dma semaphore(%arg15 : memref<!tpu.dma_semaphore, #tpu.memory_space<semaphore_mem>>) src(%dma_wait3A_269 : memref<8x2048xf32, #tpu.memory_space<vmem>>) dst(%dma_wait3A_275 : memref<32768x2048xf32, #tpu.memory_space<hbm>>)
        %dma_wait3A_276 = arith.constant 2 : i32
        %dma_wait3A_277 = arith.constant 0 : i32
        %dma_wait3A_278 = arith.constant 0 : i32
        %dma_wait3A_279 = arith.constant 0 : i32
        %dma_wait3A_280 = tpu.memref_slice %arg9[%dma_wait3A_276, %dma_wait3A_278, %dma_wait3A_279] : memref<4x8x2048xf32, #tpu.memory_space<vmem>> -> memref<1x8x2048xf32, #tpu.memory_space<vmem>>
        %dma_wait3A_281 = tpu.memref_squeeze %dma_wait3A_280 : memref<1x8x2048xf32, #tpu.memory_space<vmem>> -> memref<8x2048xf32, #tpu.memory_space<vmem>>
        %dma_wait3A_282 = arith.constant 0 : i32
        %dma_wait3A_283 = tpu.memref_slice %arg6[%dma_wait3A_277, %dma_wait3A_282] : memref<130x8xi32, #tpu.memory_space<vmem>> -> memref<1x8xi32, #tpu.memory_space<vmem>>
        %dma_wait3A_284 = tpu.memref_squeeze %dma_wait3A_283 : memref<1x8xi32, #tpu.memory_space<vmem>> -> memref<8xi32, #tpu.memory_space<vmem>>
        %dma_wait3A_285 = arith.constant 0 : i32
        %dma_wait3A_286 = arith.constant 0 : i32
        %dma_wait3A_287 = tpu.memref_slice %arg4[%dma_wait3A_285, %dma_wait3A_286] : memref<32768x2048xf32, #tpu.memory_space<hbm>> -> memref<32768x2048xf32, #tpu.memory_space<hbm>>
        tpu.wait_indirect_dma semaphore(%arg16 : memref<!tpu.dma_semaphore, #tpu.memory_space<semaphore_mem>>) src(%dma_wait3A_281 : memref<8x2048xf32, #tpu.memory_space<vmem>>) dst(%dma_wait3A_287 : memref<32768x2048xf32, #tpu.memory_space<hbm>>)
        %dma_wait3A_288 = arith.constant 3 : i32
        %dma_wait3A_289 = arith.constant 0 : i32
        %dma_wait3A_290 = arith.constant 0 : i32
        %dma_wait3A_291 = arith.constant 0 : i32
        %dma_wait3A_292 = tpu.memref_slice %arg9[%dma_wait3A_288, %dma_wait3A_290, %dma_wait3A_291] : memref<4x8x2048xf32, #tpu.memory_space<vmem>> -> memref<1x8x2048xf32, #tpu.memory_space<vmem>>
        %dma_wait3A_293 = tpu.memref_squeeze %dma_wait3A_292 : memref<1x8x2048xf32, #tpu.memory_space<vmem>> -> memref<8x2048xf32, #tpu.memory_space<vmem>>
        %dma_wait3A_294 = arith.constant 0 : i32
        %dma_wait3A_295 = tpu.memref_slice %arg6[%dma_wait3A_289, %dma_wait3A_294] : memref<130x8xi32, #tpu.memory_space<vmem>> -> memref<1x8xi32, #tpu.memory_space<vmem>>
        %dma_wait3A_296 = tpu.memref_squeeze %dma_wait3A_295 : memref<1x8xi32, #tpu.memory_space<vmem>> -> memref<8xi32, #tpu.memory_space<vmem>>
        %dma_wait3A_297 = arith.constant 0 : i32
        %dma_wait3A_298 = arith.constant 0 : i32
        %dma_wait3A_299 = tpu.memref_slice %arg4[%dma_wait3A_297, %dma_wait3A_298] : memref<32768x2048xf32, #tpu.memory_space<hbm>> -> memref<32768x2048xf32, #tpu.memory_space<hbm>>
        tpu.wait_indirect_dma semaphore(%arg17 : memref<!tpu.dma_semaphore, #tpu.memory_space<semaphore_mem>>) src(%dma_wait3A_293 : memref<8x2048xf32, #tpu.memory_space<vmem>>) dst(%dma_wait3A_299 : memref<32768x2048xf32, #tpu.memory_space<hbm>>)
      } else {
      }
      %add3A_104 = arith.constant 0 : i32
      %add3A_105 = arith.addi %mul3A_98, %add3A_104 : i32
      %dma_start3A_106 = arith.constant 0 : i32
      %dma_start3A_107 = arith.constant 0 : i32
      %dma_start3A_108 = arith.constant 0 : i32
      %dma_start3A_109 = tpu.memref_slice %arg9[%dma_start3A_106, %dma_start3A_107, %dma_start3A_108] : memref<4x8x2048xf32, #tpu.memory_space<vmem>> -> memref<1x8x2048xf32, #tpu.memory_space<vmem>>
      %dma_start3A_110 = tpu.memref_squeeze %dma_start3A_109 : memref<1x8x2048xf32, #tpu.memory_space<vmem>> -> memref<8x2048xf32, #tpu.memory_space<vmem>>
      %dma_start3A_111 = arith.constant 0 : i32
      %dma_start3A_112 = tpu.memref_slice %arg6[%add3A_105, %dma_start3A_111] : memref<130x8xi32, #tpu.memory_space<vmem>> -> memref<1x8xi32, #tpu.memory_space<vmem>>
      %dma_start3A_113 = tpu.memref_squeeze %dma_start3A_112 : memref<1x8xi32, #tpu.memory_space<vmem>> -> memref<8xi32, #tpu.memory_space<vmem>>
      %dma_start3A_114 = arith.constant 0 : i32
      %dma_start3A_115 = arith.constant 0 : i32
      %dma_start3A_116 = tpu.memref_slice %arg2[%dma_start3A_114, %dma_start3A_115] : memref<32768x2048xf32, #tpu.memory_space<hbm>> -> memref<32768x2048xf32, #tpu.memory_space<hbm>>
      tpu.enqueue_indirect_dma source(%dma_start3A_116 : memref<32768x2048xf32, #tpu.memory_space<hbm>>) target(%dma_start3A_110 : memref<8x2048xf32, #tpu.memory_space<vmem>>) offsets(%dma_start3A_113 : memref<8xi32, #tpu.memory_space<vmem>>) semaphore(%arg10 : memref<!tpu.dma_semaphore, #tpu.memory_space<semaphore_mem>>)
      %add3A_117 = arith.constant 1 : i32
      %add3A_118 = arith.addi %mul3A_98, %add3A_117 : i32
      %dma_start3A_119 = arith.constant 1 : i32
      %dma_start3A_120 = arith.constant 0 : i32
      %dma_start3A_121 = arith.constant 0 : i32
      %dma_start3A_122 = tpu.memref_slice %arg9[%dma_start3A_119, %dma_start3A_120, %dma_start3A_121] : memref<4x8x2048xf32, #tpu.memory_space<vmem>> -> memref<1x8x2048xf32, #tpu.memory_space<vmem>>
      %dma_start3A_123 = tpu.memref_squeeze %dma_start3A_122 : memref<1x8x2048xf32, #tpu.memory_space<vmem>> -> memref<8x2048xf32, #tpu.memory_space<vmem>>
      %dma_start3A_124 = arith.constant 0 : i32
      %dma_start3A_125 = tpu.memref_slice %arg6[%add3A_118, %dma_start3A_124] : memref<130x8xi32, #tpu.memory_space<vmem>> -> memref<1x8xi32, #tpu.memory_space<vmem>>
      %dma_start3A_126 = tpu.memref_squeeze %dma_start3A_125 : memref<1x8xi32, #tpu.memory_space<vmem>> -> memref<8xi32, #tpu.memory_space<vmem>>
      %dma_start3A_127 = arith.constant 0 : i32
      %dma_start3A_128 = arith.constant 0 : i32
      %dma_start3A_129 = tpu.memref_slice %arg2[%dma_start3A_127, %dma_start3A_128] : memref<32768x2048xf32, #tpu.memory_space<hbm>> -> memref<32768x2048xf32, #tpu.memory_space<hbm>>
      tpu.enqueue_indirect_dma source(%dma_start3A_129 : memref<32768x2048xf32, #tpu.memory_space<hbm>>) target(%dma_start3A_123 : memref<8x2048xf32, #tpu.memory_space<vmem>>) offsets(%dma_start3A_126 : memref<8xi32, #tpu.memory_space<vmem>>) semaphore(%arg11 : memref<!tpu.dma_semaphore, #tpu.memory_space<semaphore_mem>>)
      %add3A_130 = arith.constant 2 : i32
      %add3A_131 = arith.addi %mul3A_98, %add3A_130 : i32
      %dma_start3A_132 = arith.constant 2 : i32
      %dma_start3A_133 = arith.constant 0 : i32
      %dma_start3A_134 = arith.constant 0 : i32
      %dma_start3A_135 = tpu.memref_slice %arg9[%dma_start3A_132, %dma_start3A_133, %dma_start3A_134] : memref<4x8x2048xf32, #tpu.memory_space<vmem>> -> memref<1x8x2048xf32, #tpu.memory_space<vmem>>
      %dma_start3A_136 = tpu.memref_squeeze %dma_start3A_135 : memref<1x8x2048xf32, #tpu.memory_space<vmem>> -> memref<8x2048xf32, #tpu.memory_space<vmem>>
      %dma_start3A_137 = arith.constant 0 : i32
      %dma_start3A_138 = tpu.memref_slice %arg6[%add3A_131, %dma_start3A_137] : memref<130x8xi32, #tpu.memory_space<vmem>> -> memref<1x8xi32, #tpu.memory_space<vmem>>
      %dma_start3A_139 = tpu.memref_squeeze %dma_start3A_138 : memref<1x8xi32, #tpu.memory_space<vmem>> -> memref<8xi32, #tpu.memory_space<vmem>>
      %dma_start3A_140 = arith.constant 0 : i32
      %dma_start3A_141 = arith.constant 0 : i32
      %dma_start3A_142 = tpu.memref_slice %arg2[%dma_start3A_140, %dma_start3A_141] : memref<32768x2048xf32, #tpu.memory_space<hbm>> -> memref<32768x2048xf32, #tpu.memory_space<hbm>>
      tpu.enqueue_indirect_dma source(%dma_start3A_142 : memref<32768x2048xf32, #tpu.memory_space<hbm>>) target(%dma_start3A_136 : memref<8x2048xf32, #tpu.memory_space<vmem>>) offsets(%dma_start3A_139 : memref<8xi32, #tpu.memory_space<vmem>>) semaphore(%arg12 : memref<!tpu.dma_semaphore, #tpu.memory_space<semaphore_mem>>)
      %add3A_143 = arith.constant 3 : i32
      %add3A_144 = arith.addi %mul3A_98, %add3A_143 : i32
      %dma_start3A_145 = arith.constant 3 : i32
      %dma_start3A_146 = arith.constant 0 : i32
      %dma_start3A_147 = arith.constant 0 : i32
      %dma_start3A_148 = tpu.memref_slice %arg9[%dma_start3A_145, %dma_start3A_146, %dma_start3A_147] : memref<4x8x2048xf32, #tpu.memory_space<vmem>> -> memref<1x8x2048xf32, #tpu.memory_space<vmem>>
      %dma_start3A_149 = tpu.memref_squeeze %dma_start3A_148 : memref<1x8x2048xf32, #tpu.memory_space<vmem>> -> memref<8x2048xf32, #tpu.memory_space<vmem>>
      %dma_start3A_150 = arith.constant 0 : i32
      %dma_start3A_151 = tpu.memref_slice %arg6[%add3A_144, %dma_start3A_150] : memref<130x8xi32, #tpu.memory_space<vmem>> -> memref<1x8xi32, #tpu.memory_space<vmem>>
      %dma_start3A_152 = tpu.memref_squeeze %dma_start3A_151 : memref<1x8xi32, #tpu.memory_space<vmem>> -> memref<8xi32, #tpu.memory_space<vmem>>
      %dma_start3A_153 = arith.constant 0 : i32
      %dma_start3A_154 = arith.constant 0 : i32
      %dma_start3A_155 = tpu.memref_slice %arg2[%dma_start3A_153, %dma_start3A_154] : memref<32768x2048xf32, #tpu.memory_space<hbm>> -> memref<32768x2048xf32, #tpu.memory_space<hbm>>
      tpu.enqueue_indirect_dma source(%dma_start3A_155 : memref<32768x2048xf32, #tpu.memory_space<hbm>>) target(%dma_start3A_149 : memref<8x2048xf32, #tpu.memory_space<vmem>>) offsets(%dma_start3A_152 : memref<8xi32, #tpu.memory_space<vmem>>) semaphore(%arg13 : memref<!tpu.dma_semaphore, #tpu.memory_space<semaphore_mem>>)
      %dma_wait3A_156 = arith.constant 0 : i32
      %dma_wait3A_157 = arith.constant 0 : i32
      %dma_wait3A_158 = arith.constant 0 : i32
      %dma_wait3A_159 = tpu.memref_slice %arg9[%dma_wait3A_156, %dma_wait3A_157, %dma_wait3A_158] : memref<4x8x2048xf32, #tpu.memory_space<vmem>> -> memref<1x8x2048xf32, #tpu.memory_space<vmem>>
      %dma_wait3A_160 = tpu.memref_squeeze %dma_wait3A_159 : memref<1x8x2048xf32, #tpu.memory_space<vmem>> -> memref<8x2048xf32, #tpu.memory_space<vmem>>
      %dma_wait3A_161 = arith.constant 0 : i32
      %dma_wait3A_162 = tpu.memref_slice %arg6[%add3A_105, %dma_wait3A_161] : memref<130x8xi32, #tpu.memory_space<vmem>> -> memref<1x8xi32, #tpu.memory_space<vmem>>
      %dma_wait3A_163 = tpu.memref_squeeze %dma_wait3A_162 : memref<1x8xi32, #tpu.memory_space<vmem>> -> memref<8xi32, #tpu.memory_space<vmem>>
      %dma_wait3A_164 = arith.constant 0 : i32
      %dma_wait3A_165 = arith.constant 0 : i32
      %dma_wait3A_166 = tpu.memref_slice %arg2[%dma_wait3A_164, %dma_wait3A_165] : memref<32768x2048xf32, #tpu.memory_space<hbm>> -> memref<32768x2048xf32, #tpu.memory_space<hbm>>
      tpu.wait_indirect_dma semaphore(%arg10 : memref<!tpu.dma_semaphore, #tpu.memory_space<semaphore_mem>>) src(%dma_wait3A_166 : memref<32768x2048xf32, #tpu.memory_space<hbm>>) dst(%dma_wait3A_160 : memref<8x2048xf32, #tpu.memory_space<vmem>>)
      %add3A_167 = arith.constant 0 : i32
      %add3A_168 = arith.addi %mul3A_98, %add3A_167 : i32
      %dma_start3A_169 = arith.constant 0 : i32
      %dma_start3A_170 = arith.constant 0 : i32
      %dma_start3A_171 = arith.constant 0 : i32
      %dma_start3A_172 = tpu.memref_slice %arg9[%dma_start3A_169, %dma_start3A_170, %dma_start3A_171] : memref<4x8x2048xf32, #tpu.memory_space<vmem>> -> memref<1x8x2048xf32, #tpu.memory_space<vmem>>
      %dma_start3A_173 = tpu.memref_squeeze %dma_start3A_172 : memref<1x8x2048xf32, #tpu.memory_space<vmem>> -> memref<8x2048xf32, #tpu.memory_space<vmem>>
      %dma_start3A_174 = arith.constant 0 : i32
      %dma_start3A_175 = tpu.memref_slice %arg6[%add3A_168, %dma_start3A_174] : memref<130x8xi32, #tpu.memory_space<vmem>> -> memref<1x8xi32, #tpu.memory_space<vmem>>
      %dma_start3A_176 = tpu.memref_squeeze %dma_start3A_175 : memref<1x8xi32, #tpu.memory_space<vmem>> -> memref<8xi32, #tpu.memory_space<vmem>>
      %dma_start3A_177 = arith.constant 0 : i32
      %dma_start3A_178 = arith.constant 0 : i32
      %dma_start3A_179 = tpu.memref_slice %arg4[%dma_start3A_177, %dma_start3A_178] : memref<32768x2048xf32, #tpu.memory_space<hbm>> -> memref<32768x2048xf32, #tpu.memory_space<hbm>>
      tpu.enqueue_indirect_dma source(%dma_start3A_173 : memref<8x2048xf32, #tpu.memory_space<vmem>>) target(%dma_start3A_179 : memref<32768x2048xf32, #tpu.memory_space<hbm>>) offsets(%dma_start3A_176 : memref<8xi32, #tpu.memory_space<vmem>>) semaphore(%arg14 : memref<!tpu.dma_semaphore, #tpu.memory_space<semaphore_mem>>)
      %dma_wait3A_180 = arith.constant 1 : i32
      %dma_wait3A_181 = arith.constant 0 : i32
      %dma_wait3A_182 = arith.constant 0 : i32
      %dma_wait3A_183 = tpu.memref_slice %arg9[%dma_wait3A_180, %dma_wait3A_181, %dma_wait3A_182] : memref<4x8x2048xf32, #tpu.memory_space<vmem>> -> memref<1x8x2048xf32, #tpu.memory_space<vmem>>
      %dma_wait3A_184 = tpu.memref_squeeze %dma_wait3A_183 : memref<1x8x2048xf32, #tpu.memory_space<vmem>> -> memref<8x2048xf32, #tpu.memory_space<vmem>>
      %dma_wait3A_185 = arith.constant 0 : i32
      %dma_wait3A_186 = tpu.memref_slice %arg6[%add3A_118, %dma_wait3A_185] : memref<130x8xi32, #tpu.memory_space<vmem>> -> memref<1x8xi32, #tpu.memory_space<vmem>>
      %dma_wait3A_187 = tpu.memref_squeeze %dma_wait3A_186 : memref<1x8xi32, #tpu.memory_space<vmem>> -> memref<8xi32, #tpu.memory_space<vmem>>
      %dma_wait3A_188 = arith.constant 0 : i32
      %dma_wait3A_189 = arith.constant 0 : i32
      %dma_wait3A_190 = tpu.memref_slice %arg2[%dma_wait3A_188, %dma_wait3A_189] : memref<32768x2048xf32, #tpu.memory_space<hbm>> -> memref<32768x2048xf32, #tpu.memory_space<hbm>>
      tpu.wait_indirect_dma semaphore(%arg11 : memref<!tpu.dma_semaphore, #tpu.memory_space<semaphore_mem>>) src(%dma_wait3A_190 : memref<32768x2048xf32, #tpu.memory_space<hbm>>) dst(%dma_wait3A_184 : memref<8x2048xf32, #tpu.memory_space<vmem>>)
      %add3A_191 = arith.constant 1 : i32
      %add3A_192 = arith.addi %mul3A_98, %add3A_191 : i32
      %dma_start3A_193 = arith.constant 1 : i32
      %dma_start3A_194 = arith.constant 0 : i32
      %dma_start3A_195 = arith.constant 0 : i32
      %dma_start3A_196 = tpu.memref_slice %arg9[%dma_start3A_193, %dma_start3A_194, %dma_start3A_195] : memref<4x8x2048xf32, #tpu.memory_space<vmem>> -> memref<1x8x2048xf32, #tpu.memory_space<vmem>>
      %dma_start3A_197 = tpu.memref_squeeze %dma_start3A_196 : memref<1x8x2048xf32, #tpu.memory_space<vmem>> -> memref<8x2048xf32, #tpu.memory_space<vmem>>
      %dma_start3A_198 = arith.constant 0 : i32
      %dma_start3A_199 = tpu.memref_slice %arg6[%add3A_192, %dma_start3A_198] : memref<130x8xi32, #tpu.memory_space<vmem>> -> memref<1x8xi32, #tpu.memory_space<vmem>>
      %dma_start3A_200 = tpu.memref_squeeze %dma_start3A_199 : memref<1x8xi32, #tpu.memory_space<vmem>> -> memref<8xi32, #tpu.memory_space<vmem>>
      %dma_start3A_201 = arith.constant 0 : i32
      %dma_start3A_202 = arith.constant 0 : i32
      %dma_start3A_203 = tpu.memref_slice %arg4[%dma_start3A_201, %dma_start3A_202] : memref<32768x2048xf32, #tpu.memory_space<hbm>> -> memref<32768x2048xf32, #tpu.memory_space<hbm>>
      tpu.enqueue_indirect_dma source(%dma_start3A_197 : memref<8x2048xf32, #tpu.memory_space<vmem>>) target(%dma_start3A_203 : memref<32768x2048xf32, #tpu.memory_space<hbm>>) offsets(%dma_start3A_200 : memref<8xi32, #tpu.memory_space<vmem>>) semaphore(%arg15 : memref<!tpu.dma_semaphore, #tpu.memory_space<semaphore_mem>>)
      %dma_wait3A_204 = arith.constant 2 : i32
      %dma_wait3A_205 = arith.constant 0 : i32
      %dma_wait3A_206 = arith.constant 0 : i32
      %dma_wait3A_207 = tpu.memref_slice %arg9[%dma_wait3A_204, %dma_wait3A_205, %dma_wait3A_206] : memref<4x8x2048xf32, #tpu.memory_space<vmem>> -> memref<1x8x2048xf32, #tpu.memory_space<vmem>>
      %dma_wait3A_208 = tpu.memref_squeeze %dma_wait3A_207 : memref<1x8x2048xf32, #tpu.memory_space<vmem>> -> memref<8x2048xf32, #tpu.memory_space<vmem>>
      %dma_wait3A_209 = arith.constant 0 : i32
      %dma_wait3A_210 = tpu.memref_slice %arg6[%add3A_131, %dma_wait3A_209] : memref<130x8xi32, #tpu.memory_space<vmem>> -> memref<1x8xi32, #tpu.memory_space<vmem>>
      %dma_wait3A_211 = tpu.memref_squeeze %dma_wait3A_210 : memref<1x8xi32, #tpu.memory_space<vmem>> -> memref<8xi32, #tpu.memory_space<vmem>>
      %dma_wait3A_212 = arith.constant 0 : i32
      %dma_wait3A_213 = arith.constant 0 : i32
      %dma_wait3A_214 = tpu.memref_slice %arg2[%dma_wait3A_212, %dma_wait3A_213] : memref<32768x2048xf32, #tpu.memory_space<hbm>> -> memref<32768x2048xf32, #tpu.memory_space<hbm>>
      tpu.wait_indirect_dma semaphore(%arg12 : memref<!tpu.dma_semaphore, #tpu.memory_space<semaphore_mem>>) src(%dma_wait3A_214 : memref<32768x2048xf32, #tpu.memory_space<hbm>>) dst(%dma_wait3A_208 : memref<8x2048xf32, #tpu.memory_space<vmem>>)
      %add3A_215 = arith.constant 2 : i32
      %add3A_216 = arith.addi %mul3A_98, %add3A_215 : i32
      %dma_start3A_217 = arith.constant 2 : i32
      %dma_start3A_218 = arith.constant 0 : i32
      %dma_start3A_219 = arith.constant 0 : i32
      %dma_start3A_220 = tpu.memref_slice %arg9[%dma_start3A_217, %dma_start3A_218, %dma_start3A_219] : memref<4x8x2048xf32, #tpu.memory_space<vmem>> -> memref<1x8x2048xf32, #tpu.memory_space<vmem>>
      %dma_start3A_221 = tpu.memref_squeeze %dma_start3A_220 : memref<1x8x2048xf32, #tpu.memory_space<vmem>> -> memref<8x2048xf32, #tpu.memory_space<vmem>>
      %dma_start3A_222 = arith.constant 0 : i32
      %dma_start3A_223 = tpu.memref_slice %arg6[%add3A_216, %dma_start3A_222] : memref<130x8xi32, #tpu.memory_space<vmem>> -> memref<1x8xi32, #tpu.memory_space<vmem>>
      %dma_start3A_224 = tpu.memref_squeeze %dma_start3A_223 : memref<1x8xi32, #tpu.memory_space<vmem>> -> memref<8xi32, #tpu.memory_space<vmem>>
      %dma_start3A_225 = arith.constant 0 : i32
      %dma_start3A_226 = arith.constant 0 : i32
      %dma_start3A_227 = tpu.memref_slice %arg4[%dma_start3A_225, %dma_start3A_226] : memref<32768x2048xf32, #tpu.memory_space<hbm>> -> memref<32768x2048xf32, #tpu.memory_space<hbm>>
      tpu.enqueue_indirect_dma source(%dma_start3A_221 : memref<8x2048xf32, #tpu.memory_space<vmem>>) target(%dma_start3A_227 : memref<32768x2048xf32, #tpu.memory_space<hbm>>) offsets(%dma_start3A_224 : memref<8xi32, #tpu.memory_space<vmem>>) semaphore(%arg16 : memref<!tpu.dma_semaphore, #tpu.memory_space<semaphore_mem>>)
      %dma_wait3A_228 = arith.constant 3 : i32
      %dma_wait3A_229 = arith.constant 0 : i32
      %dma_wait3A_230 = arith.constant 0 : i32
      %dma_wait3A_231 = tpu.memref_slice %arg9[%dma_wait3A_228, %dma_wait3A_229, %dma_wait3A_230] : memref<4x8x2048xf32, #tpu.memory_space<vmem>> -> memref<1x8x2048xf32, #tpu.memory_space<vmem>>
      %dma_wait3A_232 = tpu.memref_squeeze %dma_wait3A_231 : memref<1x8x2048xf32, #tpu.memory_space<vmem>> -> memref<8x2048xf32, #tpu.memory_space<vmem>>
      %dma_wait3A_233 = arith.constant 0 : i32
      %dma_wait3A_234 = tpu.memref_slice %arg6[%add3A_144, %dma_wait3A_233] : memref<130x8xi32, #tpu.memory_space<vmem>> -> memref<1x8xi32, #tpu.memory_space<vmem>>
      %dma_wait3A_235 = tpu.memref_squeeze %dma_wait3A_234 : memref<1x8xi32, #tpu.memory_space<vmem>> -> memref<8xi32, #tpu.memory_space<vmem>>
      %dma_wait3A_236 = arith.constant 0 : i32
      %dma_wait3A_237 = arith.constant 0 : i32
      %dma_wait3A_238 = tpu.memref_slice %arg2[%dma_wait3A_236, %dma_wait3A_237] : memref<32768x2048xf32, #tpu.memory_space<hbm>> -> memref<32768x2048xf32, #tpu.memory_space<hbm>>
      tpu.wait_indirect_dma semaphore(%arg13 : memref<!tpu.dma_semaphore, #tpu.memory_space<semaphore_mem>>) src(%dma_wait3A_238 : memref<32768x2048xf32, #tpu.memory_space<hbm>>) dst(%dma_wait3A_232 : memref<8x2048xf32, #tpu.memory_space<vmem>>)
      %add3A_239 = arith.constant 3 : i32
      %add3A_240 = arith.addi %mul3A_98, %add3A_239 : i32
      %dma_start3A_241 = arith.constant 3 : i32
      %dma_start3A_242 = arith.constant 0 : i32
      %dma_start3A_243 = arith.constant 0 : i32
      %dma_start3A_244 = tpu.memref_slice %arg9[%dma_start3A_241, %dma_start3A_242, %dma_start3A_243] : memref<4x8x2048xf32, #tpu.memory_space<vmem>> -> memref<1x8x2048xf32, #tpu.memory_space<vmem>>
      %dma_start3A_245 = tpu.memref_squeeze %dma_start3A_244 : memref<1x8x2048xf32, #tpu.memory_space<vmem>> -> memref<8x2048xf32, #tpu.memory_space<vmem>>
      %dma_start3A_246 = arith.constant 0 : i32
      %dma_start3A_247 = tpu.memref_slice %arg6[%add3A_240, %dma_start3A_246] : memref<130x8xi32, #tpu.memory_space<vmem>> -> memref<1x8xi32, #tpu.memory_space<vmem>>
      %dma_start3A_248 = tpu.memref_squeeze %dma_start3A_247 : memref<1x8xi32, #tpu.memory_space<vmem>> -> memref<8xi32, #tpu.memory_space<vmem>>
      %dma_start3A_249 = arith.constant 0 : i32
      %dma_start3A_250 = arith.constant 0 : i32
      %dma_start3A_251 = tpu.memref_slice %arg4[%dma_start3A_249, %dma_start3A_250] : memref<32768x2048xf32, #tpu.memory_space<hbm>> -> memref<32768x2048xf32, #tpu.memory_space<hbm>>
      tpu.enqueue_indirect_dma source(%dma_start3A_245 : memref<8x2048xf32, #tpu.memory_space<vmem>>) target(%dma_start3A_251 : memref<32768x2048xf32, #tpu.memory_space<hbm>>) offsets(%dma_start3A_248 : memref<8xi32, #tpu.memory_space<vmem>>) semaphore(%arg17 : memref<!tpu.dma_semaphore, #tpu.memory_space<semaphore_mem>>)
    }
    %while3A_83 = arith.constant 1 : i32
    scf.for %while3A_96 = %while3A_81 to %while3A_77 step %while3A_83  : i32 {
      %mul3A_97 = arith.constant 4 : i32
      %mul3A_98 = arith.muli %mul3A_97, %while3A_96 : i32
      %gt3A_99 = arith.constant 0 : i32
      %gt3A_100 = arith.cmpi sgt, %while3A_96, %gt3A_99 : i32
      %convert_element_type3A_101 = arith.extui %gt3A_100 : i1 to i32
      %cond3A_102 = arith.constant 0 : i32
      %cond3A_103 = arith.cmpi ne, %convert_element_type3A_101, %cond3A_102 : i32
      scf.if %cond3A_103 {
        %dma_wait3A_252 = arith.constant 0 : i32
        %dma_wait3A_253 = arith.constant 0 : i32
        %dma_wait3A_254 = arith.constant 0 : i32
        %dma_wait3A_255 = arith.constant 0 : i32
        %dma_wait3A_256 = tpu.memref_slice %arg9[%dma_wait3A_252, %dma_wait3A_254, %dma_wait3A_255] : memref<4x8x2048xf32, #tpu.memory_space<vmem>> -> memref<1x8x2048xf32, #tpu.memory_space<vmem>>
        %dma_wait3A_257 = tpu.memref_squeeze %dma_wait3A_256 : memref<1x8x2048xf32, #tpu.memory_space<vmem>> -> memref<8x2048xf32, #tpu.memory_space<vmem>>
        %dma_wait3A_258 = arith.constant 0 : i32
        %dma_wait3A_259 = tpu.memref_slice %arg6[%dma_wait3A_253, %dma_wait3A_258] : memref<130x8xi32, #tpu.memory_space<vmem>> -> memref<1x8xi32, #tpu.memory_space<vmem>>
        %dma_wait3A_260 = tpu.memref_squeeze %dma_wait3A_259 : memref<1x8xi32, #tpu.memory_space<vmem>> -> memref<8xi32, #tpu.memory_space<vmem>>
        %dma_wait3A_261 = arith.constant 0 : i32
        %dma_wait3A_262 = arith.constant 0 : i32
        %dma_wait3A_263 = tpu.memref_slice %arg4[%dma_wait3A_261, %dma_wait3A_262] : memref<32768x2048xf32, #tpu.memory_space<hbm>> -> memref<32768x2048xf32, #tpu.memory_space<hbm>>
        tpu.wait_indirect_dma semaphore(%arg14 : memref<!tpu.dma_semaphore, #tpu.memory_space<semaphore_mem>>) src(%dma_wait3A_257 : memref<8x2048xf32, #tpu.memory_space<vmem>>) dst(%dma_wait3A_263 : memref<32768x2048xf32, #tpu.memory_space<hbm>>)
        %dma_wait3A_264 = arith.constant 1 : i32
        %dma_wait3A_265 = arith.constant 0 : i32
        %dma_wait3A_266 = arith.constant 0 : i32
        %dma_wait3A_267 = arith.constant 0 : i32
        %dma_wait3A_268 = tpu.memref_slice %arg9[%dma_wait3A_264, %dma_wait3A_266, %dma_wait3A_267] : memref<4x8x2048xf32, #tpu.memory_space<vmem>> -> memref<1x8x2048xf32, #tpu.memory_space<vmem>>
        %dma_wait3A_269 = tpu.memref_squeeze %dma_wait3A_268 : memref<1x8x2048xf32, #tpu.memory_space<vmem>> -> memref<8x2048xf32, #tpu.memory_space<vmem>>
        %dma_wait3A_270 = arith.constant 0 : i32
        %dma_wait3A_271 = tpu.memref_slice %arg6[%dma_wait3A_265, %dma_wait3A_270] : memref<130x8xi32, #tpu.memory_space<vmem>> -> memref<1x8xi32, #tpu.memory_space<vmem>>
        %dma_wait3A_272 = tpu.memref_squeeze %dma_wait3A_271 : memref<1x8xi32, #tpu.memory_space<vmem>> -> memref<8xi32, #tpu.memory_space<vmem>>
        %dma_wait3A_273 = arith.constant 0 : i32
        %dma_wait3A_274 = arith.constant 0 : i32
        %dma_wait3A_275 = tpu.memref_slice %arg4[%dma_wait3A_273, %dma_wait3A_274] : memref<32768x2048xf32, #tpu.memory_space<hbm>> -> memref<32768x2048xf32, #tpu.memory_space<hbm>>
        tpu.wait_indirect_dma semaphore(%arg15 : memref<!tpu.dma_semaphore, #tpu.memory_space<semaphore_mem>>) src(%dma_wait3A_269 : memref<8x2048xf32, #tpu.memory_space<vmem>>) dst(%dma_wait3A_275 : memref<32768x2048xf32, #tpu.memory_space<hbm>>)
        %dma_wait3A_276 = arith.constant 2 : i32
        %dma_wait3A_277 = arith.constant 0 : i32
        %dma_wait3A_278 = arith.constant 0 : i32
        %dma_wait3A_279 = arith.constant 0 : i32
        %dma_wait3A_280 = tpu.memref_slice %arg9[%dma_wait3A_276, %dma_wait3A_278, %dma_wait3A_279] : memref<4x8x2048xf32, #tpu.memory_space<vmem>> -> memref<1x8x2048xf32, #tpu.memory_space<vmem>>
        %dma_wait3A_281 = tpu.memref_squeeze %dma_wait3A_280 : memref<1x8x2048xf32, #tpu.memory_space<vmem>> -> memref<8x2048xf32, #tpu.memory_space<vmem>>
        %dma_wait3A_282 = arith.constant 0 : i32
        %dma_wait3A_283 = tpu.memref_slice %arg6[%dma_wait3A_277, %dma_wait3A_282] : memref<130x8xi32, #tpu.memory_space<vmem>> -> memref<1x8xi32, #tpu.memory_space<vmem>>
        %dma_wait3A_284 = tpu.memref_squeeze %dma_wait3A_283 : memref<1x8xi32, #tpu.memory_space<vmem>> -> memref<8xi32, #tpu.memory_space<vmem>>
        %dma_wait3A_285 = arith.constant 0 : i32
        %dma_wait3A_286 = arith.constant 0 : i32
        %dma_wait3A_287 = tpu.memref_slice %arg4[%dma_wait3A_285, %dma_wait3A_286] : memref<32768x2048xf32, #tpu.memory_space<hbm>> -> memref<32768x2048xf32, #tpu.memory_space<hbm>>
        tpu.wait_indirect_dma semaphore(%arg16 : memref<!tpu.dma_semaphore, #tpu.memory_space<semaphore_mem>>) src(%dma_wait3A_281 : memref<8x2048xf32, #tpu.memory_space<vmem>>) dst(%dma_wait3A_287 : memref<32768x2048xf32, #tpu.memory_space<hbm>>)
        %dma_wait3A_288 = arith.constant 3 : i32
        %dma_wait3A_289 = arith.constant 0 : i32
        %dma_wait3A_290 = arith.constant 0 : i32
        %dma_wait3A_291 = arith.constant 0 : i32
        %dma_wait3A_292 = tpu.memref_slice %arg9[%dma_wait3A_288, %dma_wait3A_290, %dma_wait3A_291] : memref<4x8x2048xf32, #tpu.memory_space<vmem>> -> memref<1x8x2048xf32, #tpu.memory_space<vmem>>
        %dma_wait3A_293 = tpu.memref_squeeze %dma_wait3A_292 : memref<1x8x2048xf32, #tpu.memory_space<vmem>> -> memref<8x2048xf32, #tpu.memory_space<vmem>>
        %dma_wait3A_294 = arith.constant 0 : i32
        %dma_wait3A_295 = tpu.memref_slice %arg6[%dma_wait3A_289, %dma_wait3A_294] : memref<130x8xi32, #tpu.memory_space<vmem>> -> memref<1x8xi32, #tpu.memory_space<vmem>>
        %dma_wait3A_296 = tpu.memref_squeeze %dma_wait3A_295 : memref<1x8xi32, #tpu.memory_space<vmem>> -> memref<8xi32, #tpu.memory_space<vmem>>
        %dma_wait3A_297 = arith.constant 0 : i32
        %dma_wait3A_298 = arith.constant 0 : i32
        %dma_wait3A_299 = tpu.memref_slice %arg4[%dma_wait3A_297, %dma_wait3A_298] : memref<32768x2048xf32, #tpu.memory_space<hbm>> -> memref<32768x2048xf32, #tpu.memory_space<hbm>>
        tpu.wait_indirect_dma semaphore(%arg17 : memref<!tpu.dma_semaphore, #tpu.memory_space<semaphore_mem>>) src(%dma_wait3A_293 : memref<8x2048xf32, #tpu.memory_space<vmem>>) dst(%dma_wait3A_299 : memref<32768x2048xf32, #tpu.memory_space<hbm>>)
      } else {
      }
      %add3A_104 = arith.constant 0 : i32
      %add3A_105 = arith.addi %mul3A_98, %add3A_104 : i32
      %dma_start3A_106 = arith.constant 0 : i32
      %dma_start3A_107 = arith.constant 0 : i32
      %dma_start3A_108 = arith.constant 0 : i32
      %dma_start3A_109 = tpu.memref_slice %arg9[%dma_start3A_106, %dma_start3A_107, %dma_start3A_108] : memref<4x8x2048xf32, #tpu.memory_space<vmem>> -> memref<1x8x2048xf32, #tpu.memory_space<vmem>>
      %dma_start3A_110 = tpu.memref_squeeze %dma_start3A_109 : memref<1x8x2048xf32, #tpu.memory_space<vmem>> -> memref<8x2048xf32, #tpu.memory_space<vmem>>
      %dma_start3A_111 = arith.constant 0 : i32
      %dma_start3A_112 = tpu.memref_slice %arg6[%add3A_105, %dma_start3A_111] : memref<130x8xi32, #tpu.memory_space<vmem>> -> memref<1x8xi32, #tpu.memory_space<vmem>>
      %dma_start3A_113 = tpu.memref_squeeze %dma_start3A_112 : memref<1x8xi32, #tpu.memory_space<vmem>> -> memref<8xi32, #tpu.memory_space<vmem>>
      %dma_start3A_114 = arith.constant 0 : i32
      %dma_start3A_115 = arith.constant 0 : i32
      %dma_start3A_116 = tpu.memref_slice %arg2[%dma_start3A_114, %dma_start3A_115] : memref<32768x2048xf32, #tpu.memory_space<hbm>> -> memref<32768x2048xf32, #tpu.memory_space<hbm>>
      tpu.enqueue_indirect_dma source(%dma_start3A_116 : memref<32768x2048xf32, #tpu.memory_space<hbm>>) target(%dma_start3A_110 : memref<8x2048xf32, #tpu.memory_space<vmem>>) offsets(%dma_start3A_113 : memref<8xi32, #tpu.memory_space<vmem>>) semaphore(%arg10 : memref<!tpu.dma_semaphore, #tpu.memory_space<semaphore_mem>>)
      %add3A_117 = arith.constant 1 : i32
      %add3A_118 = arith.addi %mul3A_98, %add3A_117 : i32
      %dma_start3A_119 = arith.constant 1 : i32
      %dma_start3A_120 = arith.constant 0 : i32
      %dma_start3A_121 = arith.constant 0 : i32
      %dma_start3A_122 = tpu.memref_slice %arg9[%dma_start3A_119, %dma_start3A_120, %dma_start3A_121] : memref<4x8x2048xf32, #tpu.memory_space<vmem>> -> memref<1x8x2048xf32, #tpu.memory_space<vmem>>
      %dma_start3A_123 = tpu.memref_squeeze %dma_start3A_122 : memref<1x8x2048xf32, #tpu.memory_space<vmem>> -> memref<8x2048xf32, #tpu.memory_space<vmem>>
      %dma_start3A_124 = arith.constant 0 : i32
      %dma_start3A_125 = tpu.memref_slice %arg6[%add3A_118, %dma_start3A_124] : memref<130x8xi32, #tpu.memory_space<vmem>> -> memref<1x8xi32, #tpu.memory_space<vmem>>
      %dma_start3A_126 = tpu.memref_squeeze %dma_start3A_125 : memref<1x8xi32, #tpu.memory_space<vmem>> -> memref<8xi32, #tpu.memory_space<vmem>>
      %dma_start3A_127 = arith.constant 0 : i32
      %dma_start3A_128 = arith.constant 0 : i32
      %dma_start3A_129 = tpu.memref_slice %arg2[%dma_start3A_127, %dma_start3A_128] : memref<32768x2048xf32, #tpu.memory_space<hbm>> -> memref<32768x2048xf32, #tpu.memory_space<hbm>>
      tpu.enqueue_indirect_dma source(%dma_start3A_129 : memref<32768x2048xf32, #tpu.memory_space<hbm>>) target(%dma_start3A_123 : memref<8x2048xf32, #tpu.memory_space<vmem>>) offsets(%dma_start3A_126 : memref<8xi32, #tpu.memory_space<vmem>>) semaphore(%arg11 : memref<!tpu.dma_semaphore, #tpu.memory_space<semaphore_mem>>)
      %add3A_130 = arith.constant 2 : i32
      %add3A_131 = arith.addi %mul3A_98, %add3A_130 : i32
      %dma_start3A_132 = arith.constant 2 : i32
      %dma_start3A_133 = arith.constant 0 : i32
      %dma_start3A_134 = arith.constant 0 : i32
      %dma_start3A_135 = tpu.memref_slice %arg9[%dma_start3A_132, %dma_start3A_133, %dma_start3A_134] : memref<4x8x2048xf32, #tpu.memory_space<vmem>> -> memref<1x8x2048xf32, #tpu.memory_space<vmem>>
      %dma_start3A_136 = tpu.memref_squeeze %dma_start3A_135 : memref<1x8x2048xf32, #tpu.memory_space<vmem>> -> memref<8x2048xf32, #tpu.memory_space<vmem>>
      %dma_start3A_137 = arith.constant 0 : i32
      %dma_start3A_138 = tpu.memref_slice %arg6[%add3A_131, %dma_start3A_137] : memref<130x8xi32, #tpu.memory_space<vmem>> -> memref<1x8xi32, #tpu.memory_space<vmem>>
      %dma_start3A_139 = tpu.memref_squeeze %dma_start3A_138 : memref<1x8xi32, #tpu.memory_space<vmem>> -> memref<8xi32, #tpu.memory_space<vmem>>
      %dma_start3A_140 = arith.constant 0 : i32
      %dma_start3A_141 = arith.constant 0 : i32
      %dma_start3A_142 = tpu.memref_slice %arg2[%dma_start3A_140, %dma_start3A_141] : memref<32768x2048xf32, #tpu.memory_space<hbm>> -> memref<32768x2048xf32, #tpu.memory_space<hbm>>
      tpu.enqueue_indirect_dma source(%dma_start3A_142 : memref<32768x2048xf32, #tpu.memory_space<hbm>>) target(%dma_start3A_136 : memref<8x2048xf32, #tpu.memory_space<vmem>>) offsets(%dma_start3A_139 : memref<8xi32, #tpu.memory_space<vmem>>) semaphore(%arg12 : memref<!tpu.dma_semaphore, #tpu.memory_space<semaphore_mem>>)
      %add3A_143 = arith.constant 3 : i32
      %add3A_144 = arith.addi %mul3A_98, %add3A_143 : i32
      %dma_start3A_145 = arith.constant 3 : i32
      %dma_start3A_146 = arith.constant 0 : i32
      %dma_start3A_147 = arith.constant 0 : i32
      %dma_start3A_148 = tpu.memref_slice %arg9[%dma_start3A_145, %dma_start3A_146, %dma_start3A_147] : memref<4x8x2048xf32, #tpu.memory_space<vmem>> -> memref<1x8x2048xf32, #tpu.memory_space<vmem>>
      %dma_start3A_149 = tpu.memref_squeeze %dma_start3A_148 : memref<1x8x2048xf32, #tpu.memory_space<vmem>> -> memref<8x2048xf32, #tpu.memory_space<vmem>>
      %dma_start3A_150 = arith.constant 0 : i32
      %dma_start3A_151 = tpu.memref_slice %arg6[%add3A_144, %dma_start3A_150] : memref<130x8xi32, #tpu.memory_space<vmem>> -> memref<1x8xi32, #tpu.memory_space<vmem>>
      %dma_start3A_152 = tpu.memref_squeeze %dma_start3A_151 : memref<1x8xi32, #tpu.memory_space<vmem>> -> memref<8xi32, #tpu.memory_space<vmem>>
      %dma_start3A_153 = arith.constant 0 : i32
      %dma_start3A_154 = arith.constant 0 : i32
      %dma_start3A_155 = tpu.memref_slice %arg2[%dma_start3A_153, %dma_start3A_154] : memref<32768x2048xf32, #tpu.memory_space<hbm>> -> memref<32768x2048xf32, #tpu.memory_space<hbm>>
      tpu.enqueue_indirect_dma source(%dma_start3A_155 : memref<32768x2048xf32, #tpu.memory_space<hbm>>) target(%dma_start3A_149 : memref<8x2048xf32, #tpu.memory_space<vmem>>) offsets(%dma_start3A_152 : memref<8xi32, #tpu.memory_space<vmem>>) semaphore(%arg13 : memref<!tpu.dma_semaphore, #tpu.memory_space<semaphore_mem>>)
      %dma_wait3A_156 = arith.constant 0 : i32
      %dma_wait3A_157 = arith.constant 0 : i32
      %dma_wait3A_158 = arith.constant 0 : i32
      %dma_wait3A_159 = tpu.memref_slice %arg9[%dma_wait3A_156, %dma_wait3A_157, %dma_wait3A_158] : memref<4x8x2048xf32, #tpu.memory_space<vmem>> -> memref<1x8x2048xf32, #tpu.memory_space<vmem>>
      %dma_wait3A_160 = tpu.memref_squeeze %dma_wait3A_159 : memref<1x8x2048xf32, #tpu.memory_space<vmem>> -> memref<8x2048xf32, #tpu.memory_space<vmem>>
      %dma_wait3A_161 = arith.constant 0 : i32
      %dma_wait3A_162 = tpu.memref_slice %arg6[%add3A_105, %dma_wait3A_161] : memref<130x8xi32, #tpu.memory_space<vmem>> -> memref<1x8xi32, #tpu.memory_space<vmem>>
      %dma_wait3A_163 = tpu.memref_squeeze %dma_wait3A_162 : memref<1x8xi32, #tpu.memory_space<vmem>> -> memref<8xi32, #tpu.memory_space<vmem>>
      %dma_wait3A_164 = arith.constant 0 : i32
      %dma_wait3A_165 = arith.constant 0 : i32
      %dma_wait3A_166 = tpu.memref_slice %arg2[%dma_wait3A_164, %dma_wait3A_165] : memref<32768x2048xf32, #tpu.memory_space<hbm>> -> memref<32768x2048xf32, #tpu.memory_space<hbm>>
      tpu.wait_indirect_dma semaphore(%arg10 : memref<!tpu.dma_semaphore, #tpu.memory_space<semaphore_mem>>) src(%dma_wait3A_166 : memref<32768x2048xf32, #tpu.memory_space<hbm>>) dst(%dma_wait3A_160 : memref<8x2048xf32, #tpu.memory_space<vmem>>)
      %add3A_167 = arith.constant 0 : i32
      %add3A_168 = arith.addi %mul3A_98, %add3A_167 : i32
      %dma_start3A_169 = arith.constant 0 : i32
      %dma_start3A_170 = arith.constant 0 : i32
      %dma_start3A_171 = arith.constant 0 : i32
      %dma_start3A_172 = tpu.memref_slice %arg9[%dma_start3A_169, %dma_start3A_170, %dma_start3A_171] : memref<4x8x2048xf32, #tpu.memory_space<vmem>> -> memref<1x8x2048xf32, #tpu.memory_space<vmem>>
      %dma_start3A_173 = tpu.memref_squeeze %dma_start3A_172 : memref<1x8x2048xf32, #tpu.memory_space<vmem>> -> memref<8x2048xf32, #tpu.memory_space<vmem>>
      %dma_start3A_174 = arith.constant 0 : i32
      %dma_start3A_175 = tpu.memref_slice %arg6[%add3A_168, %dma_start3A_174] : memref<130x8xi32, #tpu.memory_space<vmem>> -> memref<1x8xi32, #tpu.memory_space<vmem>>
      %dma_start3A_176 = tpu.memref_squeeze %dma_start3A_175 : memref<1x8xi32, #tpu.memory_space<vmem>> -> memref<8xi32, #tpu.memory_space<vmem>>
      %dma_start3A_177 = arith.constant 0 : i32
      %dma_start3A_178 = arith.constant 0 : i32
      %dma_start3A_179 = tpu.memref_slice %arg4[%dma_start3A_177, %dma_start3A_178] : memref<32768x2048xf32, #tpu.memory_space<hbm>> -> memref<32768x2048xf32, #tpu.memory_space<hbm>>
      tpu.enqueue_indirect_dma source(%dma_start3A_173 : memref<8x2048xf32, #tpu.memory_space<vmem>>) target(%dma_start3A_179 : memref<32768x2048xf32, #tpu.memory_space<hbm>>) offsets(%dma_start3A_176 : memref<8xi32, #tpu.memory_space<vmem>>) semaphore(%arg14 : memref<!tpu.dma_semaphore, #tpu.memory_space<semaphore_mem>>)
      %dma_wait3A_180 = arith.constant 1 : i32
      %dma_wait3A_181 = arith.constant 0 : i32
      %dma_wait3A_182 = arith.constant 0 : i32
      %dma_wait3A_183 = tpu.memref_slice %arg9[%dma_wait3A_180, %dma_wait3A_181, %dma_wait3A_182] : memref<4x8x2048xf32, #tpu.memory_space<vmem>> -> memref<1x8x2048xf32, #tpu.memory_space<vmem>>
      %dma_wait3A_184 = tpu.memref_squeeze %dma_wait3A_183 : memref<1x8x2048xf32, #tpu.memory_space<vmem>> -> memref<8x2048xf32, #tpu.memory_space<vmem>>
      %dma_wait3A_185 = arith.constant 0 : i32
      %dma_wait3A_186 = tpu.memref_slice %arg6[%add3A_118, %dma_wait3A_185] : memref<130x8xi32, #tpu.memory_space<vmem>> -> memref<1x8xi32, #tpu.memory_space<vmem>>
      %dma_wait3A_187 = tpu.memref_squeeze %dma_wait3A_186 : memref<1x8xi32, #tpu.memory_space<vmem>> -> memref<8xi32, #tpu.memory_space<vmem>>
      %dma_wait3A_188 = arith.constant 0 : i32
      %dma_wait3A_189 = arith.constant 0 : i32
      %dma_wait3A_190 = tpu.memref_slice %arg2[%dma_wait3A_188, %dma_wait3A_189] : memref<32768x2048xf32, #tpu.memory_space<hbm>> -> memref<32768x2048xf32, #tpu.memory_space<hbm>>
      tpu.wait_indirect_dma semaphore(%arg11 : memref<!tpu.dma_semaphore, #tpu.memory_space<semaphore_mem>>) src(%dma_wait3A_190 : memref<32768x2048xf32, #tpu.memory_space<hbm>>) dst(%dma_wait3A_184 : memref<8x2048xf32, #tpu.memory_space<vmem>>)
      %add3A_191 = arith.constant 1 : i32
      %add3A_192 = arith.addi %mul3A_98, %add3A_191 : i32
      %dma_start3A_193 = arith.constant 1 : i32
      %dma_start3A_194 = arith.constant 0 : i32
      %dma_start3A_195 = arith.constant 0 : i32
      %dma_start3A_196 = tpu.memref_slice %arg9[%dma_start3A_193, %dma_start3A_194, %dma_start3A_195] : memref<4x8x2048xf32, #tpu.memory_space<vmem>> -> memref<1x8x2048xf32, #tpu.memory_space<vmem>>
      %dma_start3A_197 = tpu.memref_squeeze %dma_start3A_196 : memref<1x8x2048xf32, #tpu.memory_space<vmem>> -> memref<8x2048xf32, #tpu.memory_space<vmem>>
      %dma_start3A_198 = arith.constant 0 : i32
      %dma_start3A_199 = tpu.memref_slice %arg6[%add3A_192, %dma_start3A_198] : memref<130x8xi32, #tpu.memory_space<vmem>> -> memref<1x8xi32, #tpu.memory_space<vmem>>
      %dma_start3A_200 = tpu.memref_squeeze %dma_start3A_199 : memref<1x8xi32, #tpu.memory_space<vmem>> -> memref<8xi32, #tpu.memory_space<vmem>>
      %dma_start3A_201 = arith.constant 0 : i32
      %dma_start3A_202 = arith.constant 0 : i32
      %dma_start3A_203 = tpu.memref_slice %arg4[%dma_start3A_201, %dma_start3A_202] : memref<32768x2048xf32, #tpu.memory_space<hbm>> -> memref<32768x2048xf32, #tpu.memory_space<hbm>>
      tpu.enqueue_indirect_dma source(%dma_start3A_197 : memref<8x2048xf32, #tpu.memory_space<vmem>>) target(%dma_start3A_203 : memref<32768x2048xf32, #tpu.memory_space<hbm>>) offsets(%dma_start3A_200 : memref<8xi32, #tpu.memory_space<vmem>>) semaphore(%arg15 : memref<!tpu.dma_semaphore, #tpu.memory_space<semaphore_mem>>)
      %dma_wait3A_204 = arith.constant 2 : i32
      %dma_wait3A_205 = arith.constant 0 : i32
      %dma_wait3A_206 = arith.constant 0 : i32
      %dma_wait3A_207 = tpu.memref_slice %arg9[%dma_wait3A_204, %dma_wait3A_205, %dma_wait3A_206] : memref<4x8x2048xf32, #tpu.memory_space<vmem>> -> memref<1x8x2048xf32, #tpu.memory_space<vmem>>
      %dma_wait3A_208 = tpu.memref_squeeze %dma_wait3A_207 : memref<1x8x2048xf32, #tpu.memory_space<vmem>> -> memref<8x2048xf32, #tpu.memory_space<vmem>>
      %dma_wait3A_209 = arith.constant 0 : i32
      %dma_wait3A_210 = tpu.memref_slice %arg6[%add3A_131, %dma_wait3A_209] : memref<130x8xi32, #tpu.memory_space<vmem>> -> memref<1x8xi32, #tpu.memory_space<vmem>>
      %dma_wait3A_211 = tpu.memref_squeeze %dma_wait3A_210 : memref<1x8xi32, #tpu.memory_space<vmem>> -> memref<8xi32, #tpu.memory_space<vmem>>
      %dma_wait3A_212 = arith.constant 0 : i32
      %dma_wait3A_213 = arith.constant 0 : i32
      %dma_wait3A_214 = tpu.memref_slice %arg2[%dma_wait3A_212, %dma_wait3A_213] : memref<32768x2048xf32, #tpu.memory_space<hbm>> -> memref<32768x2048xf32, #tpu.memory_space<hbm>>
      tpu.wait_indirect_dma semaphore(%arg12 : memref<!tpu.dma_semaphore, #tpu.memory_space<semaphore_mem>>) src(%dma_wait3A_214 : memref<32768x2048xf32, #tpu.memory_space<hbm>>) dst(%dma_wait3A_208 : memref<8x2048xf32, #tpu.memory_space<vmem>>)
      %add3A_215 = arith.constant 2 : i32
      %add3A_216 = arith.addi %mul3A_98, %add3A_215 : i32
      %dma_start3A_217 = arith.constant 2 : i32
      %dma_start3A_218 = arith.constant 0 : i32
      %dma_start3A_219 = arith.constant 0 : i32
      %dma_start3A_220 = tpu.memref_slice %arg9[%dma_start3A_217, %dma_start3A_218, %dma_start3A_219] : memref<4x8x2048xf32, #tpu.memory_space<vmem>> -> memref<1x8x2048xf32, #tpu.memory_space<vmem>>
      %dma_start3A_221 = tpu.memref_squeeze %dma_start3A_220 : memref<1x8x2048xf32, #tpu.memory_space<vmem>> -> memref<8x2048xf32, #tpu.memory_space<vmem>>
      %dma_start3A_222 = arith.constant 0 : i32
      %dma_start3A_223 = tpu.memref_slice %arg6[%add3A_216, %dma_start3A_222] : memref<130x8xi32, #tpu.memory_space<vmem>> -> memref<1x8xi32, #tpu.memory_space<vmem>>
      %dma_start3A_224 = tpu.memref_squeeze %dma_start3A_223 : memref<1x8xi32, #tpu.memory_space<vmem>> -> memref<8xi32, #tpu.memory_space<vmem>>
      %dma_start3A_225 = arith.constant 0 : i32
      %dma_start3A_226 = arith.constant 0 : i32
      %dma_start3A_227 = tpu.memref_slice %arg4[%dma_start3A_225, %dma_start3A_226] : memref<32768x2048xf32, #tpu.memory_space<hbm>> -> memref<32768x2048xf32, #tpu.memory_space<hbm>>
      tpu.enqueue_indirect_dma source(%dma_start3A_221 : memref<8x2048xf32, #tpu.memory_space<vmem>>) target(%dma_start3A_227 : memref<32768x2048xf32, #tpu.memory_space<hbm>>) offsets(%dma_start3A_224 : memref<8xi32, #tpu.memory_space<vmem>>) semaphore(%arg16 : memref<!tpu.dma_semaphore, #tpu.memory_space<semaphore_mem>>)
      %dma_wait3A_228 = arith.constant 3 : i32
      %dma_wait3A_229 = arith.constant 0 : i32
      %dma_wait3A_230 = arith.constant 0 : i32
      %dma_wait3A_231 = tpu.memref_slice %arg9[%dma_wait3A_228, %dma_wait3A_229, %dma_wait3A_230] : memref<4x8x2048xf32, #tpu.memory_space<vmem>> -> memref<1x8x2048xf32, #tpu.memory_space<vmem>>
      %dma_wait3A_232 = tpu.memref_squeeze %dma_wait3A_231 : memref<1x8x2048xf32, #tpu.memory_space<vmem>> -> memref<8x2048xf32, #tpu.memory_space<vmem>>
      %dma_wait3A_233 = arith.constant 0 : i32
      %dma_wait3A_234 = tpu.memref_slice %arg6[%add3A_144, %dma_wait3A_233] : memref<130x8xi32, #tpu.memory_space<vmem>> -> memref<1x8xi32, #tpu.memory_space<vmem>>
      %dma_wait3A_235 = tpu.memref_squeeze %dma_wait3A_234 : memref<1x8xi32, #tpu.memory_space<vmem>> -> memref<8xi32, #tpu.memory_space<vmem>>
      %dma_wait3A_236 = arith.constant 0 : i32
      %dma_wait3A_237 = arith.constant 0 : i32
      %dma_wait3A_238 = tpu.memref_slice %arg2[%dma_wait3A_236, %dma_wait3A_237] : memref<32768x2048xf32, #tpu.memory_space<hbm>> -> memref<32768x2048xf32, #tpu.memory_space<hbm>>
      tpu.wait_indirect_dma semaphore(%arg13 : memref<!tpu.dma_semaphore, #tpu.memory_space<semaphore_mem>>) src(%dma_wait3A_238 : memref<32768x2048xf32, #tpu.memory_space<hbm>>) dst(%dma_wait3A_232 : memref<8x2048xf32, #tpu.memory_space<vmem>>)
      %add3A_239 = arith.constant 3 : i32
      %add3A_240 = arith.addi %mul3A_98, %add3A_239 : i32
      %dma_start3A_241 = arith.constant 3 : i32
      %dma_start3A_242 = arith.constant 0 : i32
      %dma_start3A_243 = arith.constant 0 : i32
      %dma_start3A_244 = tpu.memref_slice %arg9[%dma_start3A_241, %dma_start3A_242, %dma_start3A_243] : memref<4x8x2048xf32, #tpu.memory_space<vmem>> -> memref<1x8x2048xf32, #tpu.memory_space<vmem>>
      %dma_start3A_245 = tpu.memref_squeeze %dma_start3A_244 : memref<1x8x2048xf32, #tpu.memory_space<vmem>> -> memref<8x2048xf32, #tpu.memory_space<vmem>>
      %dma_start3A_246 = arith.constant 0 : i32
      %dma_start3A_247 = tpu.memref_slice %arg6[%add3A_240, %dma_start3A_246] : memref<130x8xi32, #tpu.memory_space<vmem>> -> memref<1x8xi32, #tpu.memory_space<vmem>>
      %dma_start3A_248 = tpu.memref_squeeze %dma_start3A_247 : memref<1x8xi32, #tpu.memory_space<vmem>> -> memref<8xi32, #tpu.memory_space<vmem>>
      %dma_start3A_249 = arith.constant 0 : i32
      %dma_start3A_250 = arith.constant 0 : i32
      %dma_start3A_251 = tpu.memref_slice %arg4[%dma_start3A_249, %dma_start3A_250] : memref<32768x2048xf32, #tpu.memory_space<hbm>> -> memref<32768x2048xf32, #tpu.memory_space<hbm>>
      tpu.enqueue_indirect_dma source(%dma_start3A_245 : memref<8x2048xf32, #tpu.memory_space<vmem>>) target(%dma_start3A_251 : memref<32768x2048xf32, #tpu.memory_space<hbm>>) offsets(%dma_start3A_248 : memref<8xi32, #tpu.memory_space<vmem>>) semaphore(%arg17 : memref<!tpu.dma_semaphore, #tpu.memory_space<semaphore_mem>>)
    }
    %gt3A = arith.constant 0 : i32
    %gt3A_84 = arith.cmpi sgt, %shift_right_logical3A_65, %gt3A : i32
    %convert_element_type3A = arith.extui %gt3A_84 : i1 to i32
    %cond3A = arith.constant 0 : i32
    %cond3A_85 = arith.cmpi ne, %convert_element_type3A, %cond3A : i32
    scf.if %cond3A_85 {
      %dma_wait3A_96 = arith.constant 0 : i32
      %dma_wait3A_97 = arith.constant 0 : i32
      %dma_wait3A_98 = arith.constant 0 : i32
      %dma_wait3A_99 = arith.constant 0 : i32
      %dma_wait3A_100 = tpu.memref_slice %arg9[%dma_wait3A_96, %dma_wait3A_98, %dma_wait3A_99] : memref<4x8x2048xf32, #tpu.memory_space<vmem>> -> memref<1x8x2048xf32, #tpu.memory_space<vmem>>
      %dma_wait3A_101 = tpu.memref_squeeze %dma_wait3A_100 : memref<1x8x2048xf32, #tpu.memory_space<vmem>> -> memref<8x2048xf32, #tpu.memory_space<vmem>>
      %dma_wait3A_102 = arith.constant 0 : i32
      %dma_wait3A_103 = tpu.memref_slice %arg6[%dma_wait3A_97, %dma_wait3A_102] : memref<130x8xi32, #tpu.memory_space<vmem>> -> memref<1x8xi32, #tpu.memory_space<vmem>>
      %dma_wait3A_104 = tpu.memref_squeeze %dma_wait3A_103 : memref<1x8xi32, #tpu.memory_space<vmem>> -> memref<8xi32, #tpu.memory_space<vmem>>
      %dma_wait3A_105 = arith.constant 0 : i32
      %dma_wait3A_106 = arith.constant 0 : i32
      %dma_wait3A_107 = tpu.memref_slice %arg4[%dma_wait3A_105, %dma_wait3A_106] : memref<32768x2048xf32, #tpu.memory_space<hbm>> -> memref<32768x2048xf32, #tpu.memory_space<hbm>>
      tpu.wait_indirect_dma semaphore(%arg14 : memref<!tpu.dma_semaphore, #tpu.memory_space<semaphore_mem>>) src(%dma_wait3A_101 : memref<8x2048xf32, #tpu.memory_space<vmem>>) dst(%dma_wait3A_107 : memref<32768x2048xf32, #tpu.memory_space<hbm>>)
      %dma_wait3A_108 = arith.constant 1 : i32
      %dma_wait3A_109 = arith.constant 0 : i32
      %dma_wait3A_110 = arith.constant 0 : i32
      %dma_wait3A_111 = arith.constant 0 : i32
      %dma_wait3A_112 = tpu.memref_slice %arg9[%dma_wait3A_108, %dma_wait3A_110, %dma_wait3A_111] : memref<4x8x2048xf32, #tpu.memory_space<vmem>> -> memref<1x8x2048xf32, #tpu.memory_space<vmem>>
      %dma_wait3A_113 = tpu.memref_squeeze %dma_wait3A_112 : memref<1x8x2048xf32, #tpu.memory_space<vmem>> -> memref<8x2048xf32, #tpu.memory_space<vmem>>
      %dma_wait3A_114 = arith.constant 0 : i32
      %dma_wait3A_115 = tpu.memref_slice %arg6[%dma_wait3A_109, %dma_wait3A_114] : memref<130x8xi32, #tpu.memory_space<vmem>> -> memref<1x8xi32, #tpu.memory_space<vmem>>
      %dma_wait3A_116 = tpu.memref_squeeze %dma_wait3A_115 : memref<1x8xi32, #tpu.memory_space<vmem>> -> memref<8xi32, #tpu.memory_space<vmem>>
      %dma_wait3A_117 = arith.constant 0 : i32
      %dma_wait3A_118 = arith.constant 0 : i32
      %dma_wait3A_119 = tpu.memref_slice %arg4[%dma_wait3A_117, %dma_wait3A_118] : memref<32768x2048xf32, #tpu.memory_space<hbm>> -> memref<32768x2048xf32, #tpu.memory_space<hbm>>
      tpu.wait_indirect_dma semaphore(%arg15 : memref<!tpu.dma_semaphore, #tpu.memory_space<semaphore_mem>>) src(%dma_wait3A_113 : memref<8x2048xf32, #tpu.memory_space<vmem>>) dst(%dma_wait3A_119 : memref<32768x2048xf32, #tpu.memory_space<hbm>>)
      %dma_wait3A_120 = arith.constant 2 : i32
      %dma_wait3A_121 = arith.constant 0 : i32
      %dma_wait3A_122 = arith.constant 0 : i32
      %dma_wait3A_123 = arith.constant 0 : i32
      %dma_wait3A_124 = tpu.memref_slice %arg9[%dma_wait3A_120, %dma_wait3A_122, %dma_wait3A_123] : memref<4x8x2048xf32, #tpu.memory_space<vmem>> -> memref<1x8x2048xf32, #tpu.memory_space<vmem>>
      %dma_wait3A_125 = tpu.memref_squeeze %dma_wait3A_124 : memref<1x8x2048xf32, #tpu.memory_space<vmem>> -> memref<8x2048xf32, #tpu.memory_space<vmem>>
      %dma_wait3A_126 = arith.constant 0 : i32
      %dma_wait3A_127 = tpu.memref_slice %arg6[%dma_wait3A_121, %dma_wait3A_126] : memref<130x8xi32, #tpu.memory_space<vmem>> -> memref<1x8xi32, #tpu.memory_space<vmem>>
      %dma_wait3A_128 = tpu.memref_squeeze %dma_wait3A_127 : memref<1x8xi32, #tpu.memory_space<vmem>> -> memref<8xi32, #tpu.memory_space<vmem>>
      %dma_wait3A_129 = arith.constant 0 : i32
      %dma_wait3A_130 = arith.constant 0 : i32
      %dma_wait3A_131 = tpu.memref_slice %arg4[%dma_wait3A_129, %dma_wait3A_130] : memref<32768x2048xf32, #tpu.memory_space<hbm>> -> memref<32768x2048xf32, #tpu.memory_space<hbm>>
      tpu.wait_indirect_dma semaphore(%arg16 : memref<!tpu.dma_semaphore, #tpu.memory_space<semaphore_mem>>) src(%dma_wait3A_125 : memref<8x2048xf32, #tpu.memory_space<vmem>>) dst(%dma_wait3A_131 : memref<32768x2048xf32, #tpu.memory_space<hbm>>)
      %dma_wait3A_132 = arith.constant 3 : i32
      %dma_wait3A_133 = arith.constant 0 : i32
      %dma_wait3A_134 = arith.constant 0 : i32
      %dma_wait3A_135 = arith.constant 0 : i32
      %dma_wait3A_136 = tpu.memref_slice %arg9[%dma_wait3A_132, %dma_wait3A_134, %dma_wait3A_135] : memref<4x8x2048xf32, #tpu.memory_space<vmem>> -> memref<1x8x2048xf32, #tpu.memory_space<vmem>>
      %dma_wait3A_137 = tpu.memref_squeeze %dma_wait3A_136 : memref<1x8x2048xf32, #tpu.memory_space<vmem>> -> memref<8x2048xf32, #tpu.memory_space<vmem>>
      %dma_wait3A_138 = arith.constant 0 : i32
      %dma_wait3A_139 = tpu.memref_slice %arg6[%dma_wait3A_133, %dma_wait3A_138] : memref<130x8xi32, #tpu.memory_space<vmem>> -> memref<1x8xi32, #tpu.memory_space<vmem>>
      %dma_wait3A_140 = tpu.memref_squeeze %dma_wait3A_139 : memref<1x8xi32, #tpu.memory_space<vmem>> -> memref<8xi32, #tpu.memory_space<vmem>>
      %dma_wait3A_141 = arith.constant 0 : i32
      %dma_wait3A_142 = arith.constant 0 : i32
      %dma_wait3A_143 = tpu.memref_slice %arg4[%dma_wait3A_141, %dma_wait3A_142] : memref<32768x2048xf32, #tpu.memory_space<hbm>> -> memref<32768x2048xf32, #tpu.memory_space<hbm>>
      tpu.wait_indirect_dma semaphore(%arg17 : memref<!tpu.dma_semaphore, #tpu.memory_space<semaphore_mem>>) src(%dma_wait3A_137 : memref<8x2048xf32, #tpu.memory_space<vmem>>) dst(%dma_wait3A_143 : memref<32768x2048xf32, #tpu.memory_space<hbm>>)
    } else {
    }
    %while3A_86 = arith.constant 0 : i32
    %while3A_87 = arith.constant 0 : i32
    %while3A_88 = arith.subi %shift_right_logical3A_61, %while3A_87 : i32
    %while3A_89 = arith.addi %while3A_87, %while3A_88 : i32
    %while3A_90 = arith.constant 1 : i32
    %while3A_91 = arith.divsi %while3A_88, %while3A_90 : i32
    %while3A_92 = arith.muli %while3A_91, %while3A_90 : i32
    %while3A_93 = arith.addi %while3A_87, %while3A_92 : i32
    %while3A_94 = arith.constant 1 : i32
    scf.for %while3A_96 = %while3A_87 to %while3A_93 step %while3A_94  : i32 {
      %dma_wait3A_97 = arith.constant 0 : i32
      %dma_wait3A_98 = arith.constant 0 : i32
      %dma_wait3A_99 = tpu.memref_slice %arg7[%dma_wait3A_97, %dma_wait3A_98] : memref<65x16xi32, #tpu.memory_space<vmem>> -> memref<1x16xi32, #tpu.memory_space<vmem>>
      %dma_wait3A_100 = tpu.memref_squeeze %dma_wait3A_99 : memref<1x16xi32, #tpu.memory_space<vmem>> -> memref<16xi32, #tpu.memory_space<vmem>>
      %dma_wait3A_101 = arith.constant 0 : i32
      %dma_wait3A_102 = arith.constant 0 : i32
      %dma_wait3A_103 = tpu.memref_slice %arg4[%dma_wait3A_101, %dma_wait3A_102] : memref<32768x2048xf32, #tpu.memory_space<hbm>> -> memref<32768x2048xf32, #tpu.memory_space<hbm>>
      tpu.wait_indirect_dma semaphore(%arg18 : memref<!tpu.dma_semaphore, #tpu.memory_space<semaphore_mem>>) src(%arg8 : memref<16x2048xf32, #tpu.memory_space<vmem>>) dst(%dma_wait3A_103 : memref<32768x2048xf32, #tpu.memory_space<hbm>>)
    }
    %while3A_95 = arith.constant 1 : i32
    scf.for %while3A_96 = %while3A_93 to %while3A_89 step %while3A_95  : i32 {
      %dma_wait3A_97 = arith.constant 0 : i32
      %dma_wait3A_98 = arith.constant 0 : i32
      %dma_wait3A_99 = tpu.memref_slice %arg7[%dma_wait3A_97, %dma_wait3A_98] : memref<65x16xi32, #tpu.memory_space<vmem>> -> memref<1x16xi32, #tpu.memory_space<vmem>>
      %dma_wait3A_100 = tpu.memref_squeeze %dma_wait3A_99 : memref<1x16xi32, #tpu.memory_space<vmem>> -> memref<16xi32, #tpu.memory_space<vmem>>
      %dma_wait3A_101 = arith.constant 0 : i32
      %dma_wait3A_102 = arith.constant 0 : i32
      %dma_wait3A_103 = tpu.memref_slice %arg4[%dma_wait3A_101, %dma_wait3A_102] : memref<32768x2048xf32, #tpu.memory_space<hbm>> -> memref<32768x2048xf32, #tpu.memory_space<hbm>>
      tpu.wait_indirect_dma semaphore(%arg18 : memref<!tpu.dma_semaphore, #tpu.memory_space<semaphore_mem>>) src(%arg8 : memref<16x2048xf32, #tpu.memory_space<vmem>>) dst(%dma_wait3A_103 : memref<32768x2048xf32, #tpu.memory_space<hbm>>)
    }
    return
  }
}

</mosaic_0001>

<sc_bundles>
// kernel: kernel.3.cloned.1.call-start
scs
__scs_entry_jumppad:
0x0: {  	(pc) =	sbr.rel $0x88, $3  }
0x1: {  	(tag) =	ssettag $0x0;
	lr =	simm.s32 $0x1  }
0x2: {  	[smem:$0x3F9F] =	sst lr;
	_ =	strace $0xD0000000  }
0x3: {  	_ = 	snop  }
0x4: {  	_ = 	snop  }
0x5: {  	_ = 	snop  }
0x6: {  	_ = 	snop  }
0x7: {  	_ = 	snop  }
__scs_overlays_trampoline_lowered:
0x8: {  	[smem:$0x3FAE] =	sst s0  }
0x9: {  	[smem:$0x3FAF] =	sst s1  }
0xa: {  	[smem:$0x3FB0] =	sst s2  }
0xb: {  	[smem:$0x3FB1] =	sst s3  }
0xc: {  	[smem:$0x3FB2] =	sst s4  }
0xd: {  	[smem:$0x3FB3] =	sst s5  }
0xe: {  	[smem:$0x3FB4] =	sst s6  }
0xf: {  	[smem:$0x3FB5] =	sst s7  }
0x10: {  	[smem:$0x3FB6] =	sst s8  }
0x11: {  	[smem:$0x3FB7] =	sst s9;
	s0 =	simm.s32 @!p0 $0x0  }
0x12: {  	s1 =	sld [smem:$0x3F9D];
	s0 =	simm.s32 @p0 $0x1  }
0x13: {  	[smem:$0x3FB8] =	sst s0;
	s0 =	simm.s32 @!p1 $0x0  }
0x14: {  	s2 =	sld [smem:$0x3F9C];
	s0 =	simm.s32 @p1 $0x1  }
0x15: {  	[smem:$0x3FB9] =	sst s0;
	s0 =	simm.s32 @!p2 $0x0  }
0x16: {  	s3 =	sld [smem:$0x3FDB];
	s0 =	simm.s32 @p2 $0x1  }
0x17: {  	s4 =	simm.s32 $0x1BF5;
	[smem:$0x3FBB] =	sst s0  }
0x18: {  	s0 =	sld [smem:$0x3F9E];
	_ =	swait.ge [sflag:s4], $0x0  }
0x19: {  	s7 =	sld [smem:$0x3F9F]  }
0x1a: {  	s8 =	sadd.s32 $0xFFFFE003, lr  }
0x1b: {  	s9 =	sadd.s32 $0xFFFFFEF7, lr;
	s5 =	simm.s32 $0xFFFFFFFF;
	p2 =	slt.u32 s8, $0xFFFFF086  }
0x1c: {  	p1 =	slt.u32 s9, $0xF7A;
	s5 =	simm.s32 @!p2 $0x0  }
0x1d: {  	s5 =	simm.s32 @p1 $0x1;
	p0 =	seq.s32 s7, s2  }
0x1e: {  	s7 =	smul.u32 @!p0 $0xF7A, s2;
	p2 =	seq.s32 @!p0 s5, $0x0  }
0x1f: {  	s9 =	smul.u32 $0xF7A, s1;
	s8 =	simm.s32 @!p0 $0x1BF5;
	p2 =	por !p2, p0  }
0x20: {  	[sflag:s8] =	ssyncset.s32 @!p0 $0xFFFFF086;
	s6 =	sadd.s32 @!p0 s3, s7;
	s7 =	simm.s32 @!p0 $0x108  }
0x21: {  	s3 =	sadd.s32 s3, s9;
	s6 =	sadd.s32 @!p0 $0x88, s6;
	s7 =	simm.s32 @p2 $0x1082  }
0x22: {  	[simem:s7], [sflag:s8] =	dma.local @!p0 [hbm:s6], $0xF7A  }
0x23: {  	s9 =	sor.u32 $0xD0000000, s2;
	s6 =	simm.s32 $0x108;
	_ =	swait.ge @!p0 [sflag:s8], $0x0  }
0x24: {  	s3 =	sadd.s32 $0x88, s3;
	s6 =	simm.s32 @!p1 $0x1082;
	[sflag:s4] =	ssyncset.s32 $0xFFFFF086  }
0x25: {  	[simem:s6], [sflag:s4] =	dma.local [hbm:s3], $0xF7A  }
0x26: {  	[smem:$0x3F9F] =	sst s1;
	(tag) =	ssettag s2;
	_ =	strace s9  }
0x27: {  	s1 =	sld [smem:$0x3FAF]  }
0x28: {  	s2 =	sld [smem:$0x3FB0]  }
0x29: {  	s4 =	sld [smem:$0x3FB2]  }
0x2a: {  	p0 =	seq.s32 s5, $0x0;
	s5 =	sld [smem:$0x3FB3]  }
0x2b: {  	s6 =	sld [smem:$0x3FB4]  }
0x2c: {  	s7 =	sld [smem:$0x3FB5]  }
0x2d: {  	s3 =	simm.s32 $0x108;
	s8 =	sld [smem:$0x3FB6]  }
0x2e: {  	s3 =	simm.s32 @!p0 $0x1082;
	s9 =	sld [smem:$0x3FB7]  }
0x2f: {  	lr =	sadd.s32 s0, s3;
	s0 =	sld [smem:$0x3FAE]  }
0x30: {  	s3 =	sld [smem:$0x3FB1]  }
0x31: {  	[smem:$0x3FBA] =	sst s10  }
0x32: {  	s10 =	sld [smem:$0x3FB8];
	_ =	sdelay $0x3  }
0x33: {  	p0 =	seq.s32 s10, $0x1;
	s10 =	sld [smem:$0x3FBA];
	_ =	sdelay $0x3  }
0x34: {  	[smem:$0x3FBA] =	sst s10  }
0x35: {  	s10 =	sld [smem:$0x3FB9];
	_ =	sdelay $0x3  }
0x36: {  	p1 =	seq.s32 s10, $0x1;
	s10 =	sld [smem:$0x3FBA];
	_ =	sdelay $0x3  }
0x37: {  	[smem:$0x3FBA] =	sst s10  }
0x38: {  	s10 =	sld [smem:$0x3FBB]  }
0x39: {  	_ = 	snop;
	(pc) =	sbr.ind lr, $3  }
0x3a: {  	_ = 	snop  }
0x3b: {  	_ = 	snop  }
0x3c: {  	p2 =	seq.s32 s10, $0x1;
	s10 =	sld [smem:$0x3FBA]  }
0x3d: {  	_ =	shalt  }
0x3e: {  	_ =	shalt  }
0x3f: {  	_ =	shalt  }
0x40: {  	_ =	shalt  }
0x41: {  	_ =	shalt  }
0x42: {  	_ =	shalt  }
0x43: {  	_ =	shalt  }
0x44: {  	_ =	shalt  }
0x45: {  	_ =	shalt  }
0x46: {  	_ =	shalt  }
0x47: {  	_ =	shalt  }
0x48: {  	_ =	shalt  }
0x49: {  	_ =	shalt  }
0x4a: {  	_ =	shalt  }
0x4b: {  	_ =	shalt  }
0x4c: {  	_ =	shalt  }
0x4d: {  	_ =	shalt  }
0x4e: {  	_ =	shalt  }
0x4f: {  	_ =	shalt  }
0x50: {  	_ =	shalt  }
0x51: {  	_ =	shalt  }
0x52: {  	_ =	shalt  }
0x53: {  	_ =	shalt  }
0x54: {  	_ =	shalt  }
0x55: {  	_ =	shalt  }
0x56: {  	_ =	shalt  }
0x57: {  	_ =	shalt  }
0x58: {  	_ =	shalt  }
0x59: {  	_ =	shalt  }
0x5a: {  	_ =	shalt  }
0x5b: {  	_ =	shalt  }
0x5c: {  	_ =	shalt  }
0x5d: {  	_ =	shalt  }
0x5e: {  	_ =	shalt  }
0x5f: {  	_ =	shalt  }
0x60: {  	_ =	shalt  }
0x61: {  	_ =	shalt  }
0x62: {  	_ =	shalt  }
0x63: {  	_ =	shalt  }
0x64: {  	_ =	shalt  }
0x65: {  	_ =	shalt  }
0x66: {  	_ =	shalt  }
0x67: {  	_ =	shalt  }
0x68: {  	_ =	shalt  }
0x69: {  	_ =	shalt  }
0x6a: {  	_ =	shalt  }
0x6b: {  	_ =	shalt  }
0x6c: {  	_ =	shalt  }
0x6d: {  	_ =	shalt  }
0x6e: {  	_ =	shalt  }
0x6f: {  	_ =	shalt  }
0x70: {  	_ =	shalt  }
0x71: {  	_ =	shalt  }
0x72: {  	_ =	shalt  }
0x73: {  	_ =	shalt  }
0x74: {  	_ =	shalt  }
0x75: {  	_ =	shalt  }
0x76: {  	_ =	shalt  }
0x77: {  	_ =	shalt  }
0x78: {  	_ =	shalt  }
0x79: {  	_ =	shalt  }
0x7a: {  	_ =	shalt  }
0x7b: {  	_ =	shalt  }
0x7c: {  	_ =	shalt  }
0x7d: {  	_ =	shalt  }
0x7e: {  	_ =	shalt  }
0x7f: {  	_ =	shalt  }
0x80: {  	_ =	shalt  }
0x81: {  	_ =	shalt  }
0x82: {  	_ =	shalt  }
0x83: {  	_ =	shalt  }
0x84: {  	_ =	shalt  }
0x85: {  	_ =	shalt  }
0x86: {  	_ =	shalt  }
0x87: {  	_ =	shalt  }
.Lfunc_end0:
.L_simem_size_0:
called_computation_lowered:
.L_overlay_start_0:
0x88: {  	s2 =	sld [smem:$0x3FD9]  }
0x89: {  	s3 =	sld [smem:$0x3FFE];
	_ =	sdelay $0x1  }
0x8a: {  	s1 =	srdreg.scid  }
0x8b: {  	s0 =	sand.u32 $0x1, s1  }
0x8c: {  	s18 =	sshll.u32 s0, $0xA;
	s2 =	sadd.s32 s3, s2  }
0x8d: {  	s2 =	sadd.s32 s2, s18  }
0x8e: {  	[smem:$0x3FC6] =	sst s2  }
0x8f: {  	_ = 	snop  }
0x90: {  	s2 =	sld [smem:$0x3FC9]  }
0x91: {  	s19 =	sld [smem:$0x3FC8]  }
0x92: {  	s4 =	sld [smem:$0x3FD0];
	(tm) =	ssettm $0x1  }
0x93: {  	s5 =	sld [smem:$0x3FFB];
	_ =	sdelay $0x3  }
0x94: {  	_ =	strace s5  }
0x95: {  	s5 =	sld [smem:$0x3FFC];
	_ =	sdelay $0x3  }
0x96: {  	_ =	strace s5  }
0x97: {  	s5 =	sld [smem:$0x3FFD];
	_ =	sdelay $0x3  }
0x98: {  	_ =	strace s5  }
0x99: {  	_ =	strace $0x8FFFFFFF  }
0x9a: {  	s20 =	sld [smem:$0x3FDB];
	_ =	sdelay $0x1  }
0x9b: {  	s6 =	simm.s32 $_scs_section_size  }
0x9c: {  	s7 =	simm.s32 $_size__tile_overlayer_lowered;
	s8 =	simm.s32 $_tile_overlayer_lowered  }
0x9d: {  	s23 =	simm.s32 $0x1BFF;
	s22 =	sshll.u32 s8, $0x1;
	s5 =	sadd.s32 s6, s20  }
0x9e: {  	s9 =	simm.s32 $0x0;
	s21 =	sshll.u32 s7, $0x1;
	s7 =	sadd.s32 s22, s5  }
0x9f: {  	[timem:s9], [sflag:s23] =	dma.local [hbm:s7], s21  }
0xa0: {  	_ =	swait.ge [sflag:s23], s21  }
0xa1: {  	s6 =	ssub.s32 $0x0, s21;
	[sflag:s23] =	ssyncset.done $0x0  }
0xa2: {  	[sflag:s23] =	ssyncadd.s32 s6;
	_ =	sdelay $0x1  }
0xa3: {  	s24 =	simm.s32 $0x1B8B  }
0xa4: {  	_ =	swait.ge [sflag:s24], $0x1  }
0xa5: {  	[sflag:s24] =	ssyncset.done $0x0  }
0xa6: {  	s25 =	simm.s32 $0x1B8E;
	[sflag:s24] =	ssyncadd.s32 $0xFFFFFFFF  }
0xa7: {  	s26 =	simm.s32 $execute0_lowered;
	[smem:$0x3FD2] =	sst s25  }
0xa8: {  	s6 =	sshll.u32 s26, $0x1;
	_ =	strace $0x80000046;
	[dreg:$0x1] =	wrdreg $0xFFFFFFFF  }
0xa9: {  	s28 =	simm.s32 $_size_execute0_lowered;
	s5 =	sadd.s32 s5, s6;
	[dreg:$0x0] =	wrdreg $0x0  }
0xaa: {  	s6 =	sshll.u32 s28, $0x1;
	[dreg:$0x2] =	wrdreg s5  }
0xab: {  	[dreg:$0x3] =	wrdreg s6  }
0xac: {  	[dreg:$0x4] =	wrdreg $0xC0  }
0xad: {  	_ =	task [dreg:s9], $0x5FFFF  }
0xae: {  	[dreg:$0x1] =	wrdreg $0xFFFFFFFF  }
0xaf: {  	[dreg:$0x0] =	wrdreg $0x60  }
0xb0: {  	[dreg:$0x2] =	wrdreg s2  }
0xb1: {  	[dreg:$0x3] =	wrdreg s19  }
0xb2: {  	[dreg:$0x4] =	wrdreg s4  }
0xb3: {  	[dreg:$0x5] =	wrdreg $0x9  }
0xb4: {  	_ =	task.clear_ibuf [dreg:s9], $0x6FFFF;
	_ =	strace $0x90000046  }
0xb5: {  	s29 =	simm.s32 $0x9;
	_ =	strace $0x80000048  }
0xb6: {  	_ =	swait.ge [sflag:s29], $0x1  }
0xb7: {  	[sflag:s29] =	ssyncadd.s32 $0xFFFFFFFF  }
0xb8: {  	_ =	strace $0x90000048  }
0xb9: {  	_ =	sfence  }
0xba: {  	s30 =	sld [smem:$0x0];
	_ =	sdelay $0x2  }
0xbb: {  	s31 =	sshll.u32 s1, $0xD;
	s1 =	sshrl.u32 s1, $0x2  }
0xbc: {  	s3 =	sand.u32 $0x4000, s31;
	s1 =	sadd.s32 s1, s30  }
0xbd: {  	s0 =	sor.u32 s3, s0;
	s1 =	sshll.u32 s1, $0x11  }
0xbe: {  	s0 =	sor.u32 s1, s0  }
0xbf: {  	s0 =	sadd.s32 $0x8F2B, s0  }
0xc0: {  	[sflag:s0] =	ssyncadd.remote.s32 $0x1  }
0xc1: {  	_ =	sfence.sel $0xFFFF  }
0xc2: {  	[dreg:$0x0] =	wrdreg $0xFFFFFFFF;
	(pc) =	sbr.abs _section_cstart, $3  }
0xc3: {  	[dreg:$0x1] =	wrdreg $0xFFFFFFFF  }
0xc4: {  	_ =	task.clear_ibuf [dreg:s9], $0x2FFFF;
	_ =	strace $0x9FFFFFFF  }
0xc5: {  	(tm) =	ssettm $0x7FFFFFFF  }
tec
execute0_lowered:
.L_overlay_start_1:
0x0: {  	(tag) =	ssettag $0x1  }
0x1: {  	s13 =	rddreg [dreg:$0x0]  }
0x2: {  	s0 =	rddreg [dreg:$0x1]  }
0x3: {  	s3 =	rddreg [dreg:$0x2]  }
0x4: {  	s1 =	srdreg.scid;
	s14 =	stileid.u32;
	s4 =	simm.s32 $0x0  }
0x5: {  	s20 =	simm.s32 $0xB400;
	s21 =	simm.s32 $0xBC00;
	s22 =	simm.s32 $0xC400  }
0x6: {  	s24 =	simm.s32 $0xCC00;
	s23 =	simm.s32 $0xD400;
	s15 =	simm.s32 $0x0  }
0x7: {  	s1 =	sand.u32 $0x1, s1;
	s2 =	sshll.u32 s14, $0x8;
	[smem:$0x7FF] =	sst s4  }
0x8: {  	s7 =	sadd.s32 $0x200, s3;
	s8 =	sadd.s32 $0x300, s3;
	s9 =	sadd.s32 $0x400, s3  }
0x9: {  	s10 =	sadd.s32 $0x500, s3;
	s11 =	sadd.s32 $0x600, s3;
	s12 =	sadd.s32 $0x700, s3  }
0xa: {  	s16 =	sadd.s32 $0x100, s13;
	s28 =	sadd.s32 $0x200, s13;
	s18 =	sadd.s32 $0x300, s13  }
0xb: {  	s19 =	sadd.s32 $0x400, s13;
	_ =	strace $0x80000047;
	[dreg:$0x6] =	wrdreg s16  }
0xc: {  	s17 =	sadd.s32 $0x500, s13;
	s26 =	sadd.s32 $0x600, s13;
	[dreg:$0x7] =	wrdreg s28  }
0xd: {  	s30 =	sshll.u32 s14, $0xB;
	s14 =	simm.s32 $0x9;
	[dreg:$0x8] =	wrdreg s18  }
0xe: {  	s5 =	sshll.u32 s1, $0x7;
	s6 =	ssub.s32 $0x2, s1;
	[dreg:$0x9] =	wrdreg s19  }
0xf: {  	s1 =	sshll.u32 s1, $0xA;
	[dreg:$0xa] =	wrdreg s17;
	s2 =	sor.u32 s5, s2  }
0x10: {  	[dreg:$0xb] =	wrdreg s26;
	s29 =	sshrl.u32 s6, $0x1;
	s2 =	sand.u32 $0x380, s2  }
.Ltmp0:
0x11: {  	s5 =	ssub.s32 s6, s29;
	s29 =	sadd.s32 $0x700, s13;
	(pc) =	sbr.rel .LBB2_1-.Ltmp0, $4  }
0x12: {  	s6 =	sadd.s32 $0x100, s3;
	s0 =	sadd.s32 s0, s2;
	[dreg:$0xc] =	wrdreg s29  }
0x13: {  	v0 =	vimm.f32 $0.0e+00;
	v1 =	vlaneseq.u32;
	v2 =	vimm.s32 $0x0;
	s13 =	simm.s32 $0xE400;
	s31 =	smax.u32 s5, $0x1;
	[dreg:$0x5] =	wrdreg s0  }
0x14: {  	vm0 =	vmmov $0xffff;
	v3 =	vor.u32 $0x80000000, v1;
	v5 =	vshrl.u32 v1, $0x3;
	s2 =	simm.s32 $0xA400;
	[dreg:$0xd] =	wrdreg s31;
	s0 =	sor.u32 s1, s30  }
0x15: {  	v4 =	vand.u32 $0x7, v1;
	v6 =	vor.u32 $0x8, v1;
	v5 =	vmul.u32 $0x8, v5;
	s5 =	simm.s32 $0xAC00;
	s1 =	simm.s32 $0xDC00;
	[dreg:$0xe] =	wrdreg s0  }
.LBB2_16:
0x16: {  	[sflag:s14] =	ssyncadd.s32 $0xFFFF8000;
	s15 =	rddreg [dreg:$0xf]  }
.LBB2_17:
0x17: {  	s15 =	sadd.s32 $0x1, s15;
	s0 =	rddreg [dreg:$0xd]  }
0x18: {  	p0 =	sne.s32 s15, s0  }
.Ltmp1:
0x19: {  	_ = 	snop;
	(pc) =	sbr.rel @!p0 .LBB2_18-.Ltmp1, $1  }
0x1a: {  	_ =	sdelay $0x3  }
.LBB2_1:
0x1b: {  	s0 =	rddreg [dreg:$0x5];
	s31 =	sand.u32 $0x70, s4;
	s16 =	sand.u32 $0x3C00, s4  }
0x1c: {  	[tilespmem:s4], [sflag:$0xA] =	stream.linear.gather [hbm4b:s0+s4], $0x400, $0x38;
	[tilespmem:$0x1EC00] =	vst v63  }
0x1d: {  	[dreg:$0xf] =	wrdreg s15;
	s15 =	sor.u32 s31, s16  }
0x1e: {  	[tilespmem:s15+$0x6C80] =	vst v0  }
0x1f: {  	[tilespmem:s15+$0x6D00] =	vst v0  }
0x20: {  	s19 =	sand.u32 $0x7, s4;
	[tilespmem:s15+$0x6D80] =	vst v0  }
0x21: {  	s17 =	simm.s32 $0x10;
	s18 =	simm.s32 $0x0;
	s16 =	simm.s32 $0x0;
	[tilespmem:s15+$0x6E00] =	vst v0  }
.LBB2_2:
0x22: {  	p0 =	sne.s32 s17, $0x7F0;
	s19 =	sshll.u32 s19, $0x4;
	[tilespmem:s15+$0x6E80] =	vst v0  }
0x23: {  	s19 =	sadd.s32 s19, s16;
	[tilespmem:s15+$0x6F00] =	vst v0  }
0x24: {  	[tilespmem:s15+$0x6C00] =	vst v0;
	s19 =	sor.u32 $0x380, s19  }
0x25: {  	[tilespmem:s19+$0x6C00] =	vst v0  }
0x26: {  	[tilespmem:s15+$0xAC00] =	vst v0  }
0x27: {  	[tilespmem:s15+$0xAC80] =	vst v0  }
0x28: {  	[tilespmem:s15+$0xAD00] =	vst v0  }
0x29: {  	[tilespmem:s15+$0xAD80] =	vst v0  }
0x2a: {  	[tilespmem:s15+$0xAE00] =	vst v0  }
0x2b: {  	s16 =	sadd.s32 $0x80, s16;
	[tilespmem:s15+$0xAE80] =	vst v0  }
0x2c: {  	s25 =	sand.u32 $0x3C00, s16;
	s19 =	sand.u32 $0x70, s17;
	[tilespmem:s15+$0xAF00] =	vst v0  }
.Ltmp2:
0x2d: {  	[tilespmem:s15+$0xAF80] =	vst v0;
	s15 =	sor.u32 s19, s25;
	(pc) =	sbr.rel @p0 .LBB2_2-.Ltmp2, $4  }
0x2e: {  	[tilespmem:s15+$0x6C80] =	vst v0  }
0x2f: {  	[tilespmem:s15+$0x6D00] =	vst v0  }
0x30: {  	s18 =	sadd.s32 $0x1, s18;
	[tilespmem:s15+$0x6D80] =	vst v0  }
0x31: {  	s17 =	sadd.s32 $0x10, s17;
	s19 =	sand.u32 $0x7, s18;
	[tilespmem:s15+$0x6E00] =	vst v0  }
0x32: {  	s17 =	sshll.u32 s19, $0x4;
	[tilespmem:s15+$0x6E80] =	vst v0  }
0x33: {  	[tilespmem:s15+$0x6F00] =	vst v0;
	s16 =	sadd.s32 s17, s16  }
0x34: {  	[tilespmem:s15+$0x6C00] =	vst v0;
	s16 =	sor.u32 $0x380, s16  }
0x35: {  	[tilespmem:s16+$0x6C00] =	vst v0  }
0x36: {  	[tilespmem:s15+$0xAC00] =	vst v0  }
0x37: {  	[tilespmem:s15+$0xAC80] =	vst v0  }
0x38: {  	[tilespmem:s15+$0xAD00] =	vst v0  }
0x39: {  	[tilespmem:s15+$0xAD80] =	vst v0  }
0x3a: {  	[tilespmem:s15+$0xAE00] =	vst v0  }
0x3b: {  	[tilespmem:s15+$0xAE80] =	vst v0  }
0x3c: {  	[tilespmem:s15+$0xAF00] =	vst v0  }
0x3d: {  	s0 =	simm.s32 $0xA;
	s31 =	simm.s32 $0x0;
	[tilespmem:s15+$0xAF80] =	vst v0  }
0x3e: {  	s25 =	simm.s32 $0x0;
	s18 =	simm.s32 $0x40000000;
	_ =	swait.ge [sflag:s0], $0x400  }
0x3f: {  	s19 =	simm.s32 $0x0;
	s17 =	simm.s32 $0x40000000;
	[sflag:s0] =	ssyncset.done $0x0  }
0x40: {  	s15 =	simm.s32 $0x0;
	s26 =	rddreg [dreg:$0xe];
	[sflag:s0] =	ssyncadd.s32 $0xFFFFFC00  }
.LBB2_4:
0x41: {  	s16 =	sshra.s32 s25, $0x2  }
0x42: {  	v7 =	vld [tilespmem:s16+$0x0];
	_ =	sdelay $0x4  }
0x43: {  	vm1 =	vlt.f32 v7, $0.0e+00;
	vm2 =	vgt.f32 v7, $0.0e+00  }
0x44: {  	vm1 =	vmor vm2, vm1  }
0x45: {  	v7 =	vsel vm1, $0x1, v2  }
0x46: {  	(xrf0) =	vadd.scan.msk.s32 $0xffff, v7;
	_ =	sdelay $0x5  }
0x47: {  	v7, _, _ =	vpop (xrf0)  }
0x48: {  	(v2sf) =	vpush v7, $0xF;
	_ =	sdelay $0x7  }
0x49: {  	v8 =	vmov s15  }
0x4a: {  	v8 =	vadd.s32 $0xFFFFFFFF, v8  }
0x4b: {  	v8 =	vbroadcast v8, $0x0;
	_ =	sdelay $0x1  }
0x4c: {  	v8 =	vadd.s32 v7, v8;
	v7 =	vsub.s32 s19, v7  }
0x4d: {  	vm2 =	vmneg vm1;
	v7 =	vadd.s32 v1, v7;
	v9 =	vshll.u32 v8, $0x4  }
0x4e: {  	v8 =	vand.u32 $0x7, v8;
	v9 =	vand.u32 $0xFFFFFF80, v9;
	v10 =	vshll.u32 v7, $0x3  }
0x4f: {  	v7 =	vand.u32 $0xF, v7;
	v8 =	vor.u32 v8, v9;
	v61 =	vand.u32 $0xFFFFFF80, v10;
	s29 =	spop (v2sf)  }
0x50: {  	v7 =	vor.u32 v7, v61;
	s28 =	ssub.s32 s19, s29  }
0x51: {  	s19 =	sadd.s32 $0x10, s28  }
0x52: {  	s30 =	sshrl.u32 s19, $0x4  }
0x53: {  	v62 =	vor.u32 s26, v1;
	s0 =	simm.s32 $0x400;
	p0 =	sge.s32 s31, s30  }
0x54: {  	[tilespmem:v8+s0+$0x0] =	vst.idx.msk vm1, v62;
	s0 =	simm.s32 $0x4800;
	s16 =	sshll.u32 @!p0 s31, $0x9  }
0x55: {  	[tilespmem:v7+s0+$0x0] =	vst.idx.msk vm2, v62;
	s16 =	sshra.s32 @!p0 s16, $0x2  }
0x56: {  	v7 =	vld @!p0 [tilespmem:s16+$0x4800];
	_ =	sdelay $0x4  }
0x57: {  	v8 =	vshll.u32 @!p0 v7, $0x4  }
0x58: {  	v9 =	vlaneseq.u32 @!p0;
	v7 =	vand.u32 @!p0 $0x7, v7;
	v8 =	vand.u32 @!p0 $0xFFFFFF80, v8  }
0x59: {  	v10 =	vshrl.u32 @!p0 v9, $0x3;
	v7 =	vor.u32 @!p0 v7, v8;
	v8 =	vand.u32 @!p0 $0x7, v9  }
0x5a: {  	v10 =	vmul.u32 @!p0 $0x8, v10;
	v8 =	vperm.xlane @!p0 v7, v8;
	_ =	sdelay $0x1  }
0x5b: {  	v8 =	vadd.s32 @!p0 v10, v8;
	_ =	sdelay $0x3  }
0x5c: {  	vm2 =	vmmov @!p0 $0xffff;
	s0 =	simm.s32 @!p0 $0x6C00;
	s16 =	simm.s32 @!p0 $0x0  }
0x5d: {  	[hbm4b:s3+s16] =	stream.indirect_vreg.scatter @!p0 [tilespmem:s0], [sflag:$0x9], $0x80, v8, vm2, $0xb8;
	[tilespmem:$0x1EC00] =	vst v63  }
0x5e: {  	s0 =	simm.s32 @!p0 $0x7400  }
0x5f: {  	[hbm4b:s6+s16] =	stream.indirect_vreg.scatter @!p0 [tilespmem:s0], [sflag:$0x9], $0x80, v8, vm2, $0xb8;
	[tilespmem:$0x1EC00] =	vst v63  }
0x60: {  	s0 =	simm.s32 @!p0 $0x7C00  }
0x61: {  	[hbm4b:s7+s16] =	stream.indirect_vreg.scatter @!p0 [tilespmem:s0], [sflag:$0x9], $0x80, v8, vm2, $0xb8;
	[tilespmem:$0x1EC00] =	vst v63  }
0x62: {  	s0 =	simm.s32 @!p0 $0x8400  }
0x63: {  	[hbm4b:s8+s16] =	stream.indirect_vreg.scatter @!p0 [tilespmem:s0], [sflag:$0x9], $0x80, v8, vm2, $0xb8;
	[tilespmem:$0x1EC00] =	vst v63  }
0x64: {  	s0 =	simm.s32 @!p0 $0x8C00  }
0x65: {  	v9 =	vor.u32 @!p0 $0x8, v9;
	[hbm4b:s9+s16] =	stream.indirect_vreg.scatter @!p0 [tilespmem:s0], [sflag:$0x9], $0x80, v8, vm2, $0xb8;
	[tilespmem:$0x1EC00] =	vst v63  }
0x66: {  	v7 =	vperm.xlane @!p0 v7, v9;
	s0 =	simm.s32 @!p0 $0x9400  }
0x67: {  	[hbm4b:s10+s16] =	stream.indirect_vreg.scatter @!p0 [tilespmem:s0], [sflag:$0x9], $0x80, v8, vm2, $0xb8;
	[tilespmem:$0x1EC00] =	vst v63  }
0x68: {  	v7 =	vadd.s32 @!p0 v10, v7;
	s0 =	simm.s32 @!p0 $0x9C00  }
0x69: {  	[hbm4b:s11+s16] =	stream.indirect_vreg.scatter @!p0 [tilespmem:s0], [sflag:$0x9], $0x80, v8, vm2, $0xb8;
	[tilespmem:$0x1EC00] =	vst v63  }
0x6a: {  	s0 =	simm.s32 @!p0 $0xA400  }
0x6b: {  	[hbm4b:s12+s16] =	stream.indirect_vreg.scatter @!p0 [tilespmem:s0], [sflag:$0x9], $0x80, v8, vm2, $0xb8;
	[tilespmem:$0x1EC00] =	vst v63  }
0x6c: {  	s0 =	simm.s32 @!p0 $0xAC00  }
0x6d: {  	[hbm4b:s3+s16] =	stream.indirect_vreg.scatter @!p0 [tilespmem:s0], [sflag:$0x9], $0x80, v7, vm2, $0xb8;
	[tilespmem:$0x1EC00] =	vst v63  }
0x6e: {  	s0 =	simm.s32 @!p0 $0xB400  }
0x6f: {  	[hbm4b:s6+s16] =	stream.indirect_vreg.scatter @!p0 [tilespmem:s0], [sflag:$0x9], $0x80, v7, vm2, $0xb8;
	[tilespmem:$0x1EC00] =	vst v63  }
0x70: {  	s0 =	simm.s32 @!p0 $0xBC00  }
0x71: {  	[hbm4b:s7+s16] =	stream.indirect_vreg.scatter @!p0 [tilespmem:s0], [sflag:$0x9], $0x80, v7, vm2, $0xb8;
	[tilespmem:$0x1EC00] =	vst v63  }
0x72: {  	s0 =	simm.s32 @!p0 $0xC400  }
0x73: {  	[hbm4b:s8+s16] =	stream.indirect_vreg.scatter @!p0 [tilespmem:s0], [sflag:$0x9], $0x80, v7, vm2, $0xb8;
	[tilespmem:$0x1EC00] =	vst v63  }
0x74: {  	s0 =	simm.s32 @!p0 $0xCC00  }
0x75: {  	[hbm4b:s9+s16] =	stream.indirect_vreg.scatter @!p0 [tilespmem:s0], [sflag:$0x9], $0x80, v7, vm2, $0xb8;
	[tilespmem:$0x1EC00] =	vst v63  }
0x76: {  	s0 =	simm.s32 @!p0 $0xD400  }
0x77: {  	[hbm4b:s10+s16] =	stream.indirect_vreg.scatter @!p0 [tilespmem:s0], [sflag:$0x9], $0x80, v7, vm2, $0xb8;
	[tilespmem:$0x1EC00] =	vst v63  }
0x78: {  	s0 =	simm.s32 @!p0 $0xDC00  }
0x79: {  	[hbm4b:s11+s16] =	stream.indirect_vreg.scatter @!p0 [tilespmem:s0], [sflag:$0x9], $0x80, v7, vm2, $0xb8;
	[tilespmem:$0x1EC00] =	vst v63  }
0x7a: {  	s0 =	simm.s32 @!p0 $0xE400  }
0x7b: {  	[hbm4b:s12+s16] =	stream.indirect_vreg.scatter @!p0 [tilespmem:s0], [sflag:$0x9], $0x80, v7, vm2, $0xb8;
	[tilespmem:$0x1EC00] =	vst v63  }
0x7c: {  	s0 =	sadd.s32 $0x1, s31  }
0x7d: {  	p0 =	sge.s32 s0, s30  }
0x7e: {  	s0 =	sshll.u32 @!p0 s0, $0x9  }
0x7f: {  	s0 =	sshra.s32 @!p0 s0, $0x2  }
0x80: {  	v7 =	vld @!p0 [tilespmem:s0+$0x4800];
	_ =	sdelay $0x4  }
0x81: {  	v8 =	vshll.u32 @!p0 v7, $0x4  }
0x82: {  	v9 =	vlaneseq.u32 @!p0;
	v7 =	vand.u32 @!p0 $0x7, v7;
	v8 =	vand.u32 @!p0 $0xFFFFFF80, v8  }
0x83: {  	v10 =	vshrl.u32 @!p0 v9, $0x3;
	v7 =	vor.u32 @!p0 v7, v8;
	v8 =	vand.u32 @!p0 $0x7, v9  }
0x84: {  	v10 =	vmul.u32 @!p0 $0x8, v10;
	v8 =	vperm.xlane @!p0 v7, v8;
	_ =	sdelay $0x1  }
0x85: {  	v8 =	vadd.s32 @!p0 v10, v8;
	_ =	sdelay $0x3  }
0x86: {  	vm2 =	vmmov @!p0 $0xffff;
	s16 =	simm.s32 @!p0 $0x6C00;
	s0 =	simm.s32 @!p0 $0x0  }
0x87: {  	[hbm4b:s3+s0] =	stream.indirect_vreg.scatter @!p0 [tilespmem:s16], [sflag:$0x9], $0x80, v8, vm2, $0xb8;
	[tilespmem:$0x1EC00] =	vst v63  }
0x88: {  	s16 =	simm.s32 @!p0 $0x7400  }
0x89: {  	[hbm4b:s6+s0] =	stream.indirect_vreg.scatter @!p0 [tilespmem:s16], [sflag:$0x9], $0x80, v8, vm2, $0xb8;
	[tilespmem:$0x1EC00] =	vst v63  }
0x8a: {  	s16 =	simm.s32 @!p0 $0x7C00  }
0x8b: {  	[hbm4b:s7+s0] =	stream.indirect_vreg.scatter @!p0 [tilespmem:s16], [sflag:$0x9], $0x80, v8, vm2, $0xb8;
	[tilespmem:$0x1EC00] =	vst v63  }
0x8c: {  	s16 =	simm.s32 @!p0 $0x8400  }
0x8d: {  	[hbm4b:s8+s0] =	stream.indirect_vreg.scatter @!p0 [tilespmem:s16], [sflag:$0x9], $0x80, v8, vm2, $0xb8;
	[tilespmem:$0x1EC00] =	vst v63  }
0x8e: {  	v11 =	vor.u32 s26, v3;
	s16 =	simm.s32 @!p0 $0x8C00  }
0x8f: {  	v12 =	vnsel vm1, $0xC0000000, v11;
	v9 =	vor.u32 @!p0 $0x8, v9;
	[hbm4b:s9+s0] =	stream.indirect_vreg.scatter @!p0 [tilespmem:s16], [sflag:$0x9], $0x80, v8, vm2, $0xb8;
	[tilespmem:$0x1EC00] =	vst v63  }
0x90: {  	(xrf0) =	vmin.scan.msk.u32 $0xffff, v12;
	v7 =	vperm.xlane @!p0 v7, v9;
	s16 =	simm.s32 @!p0 $0x9400  }
0x91: {  	v63 =	vsel vm1, $0xC0000000, v11;
	[hbm4b:s10+s0] =	stream.indirect_vreg.scatter @!p0 [tilespmem:s16], [sflag:$0x9], $0x80, v8, vm2, $0xb8;
	[tilespmem:$0x1EC00] =	vst v63  }
0x92: {  	(xrf0) =	vmin.scan.msk.u32 $0xffff, v63;
	v7 =	vadd.s32 @!p0 v10, v7;
	s16 =	simm.s32 @!p0 $0x9C00  }
0x93: {  	[hbm4b:s11+s0] =	stream.indirect_vreg.scatter @!p0 [tilespmem:s16], [sflag:$0x9], $0x80, v8, vm2, $0xb8;
	[tilespmem:$0x1EC00] =	vst v63  }
0x94: {  	s16 =	simm.s32 @!p0 $0xA400  }
0x95: {  	[hbm4b:s12+s0] =	stream.indirect_vreg.scatter @!p0 [tilespmem:s16], [sflag:$0x9], $0x80, v8, vm2, $0xb8;
	[tilespmem:$0x1EC00] =	vst v63  }
0x96: {  	v8, _, _ =	vpop (xrf0);
	s16 =	simm.s32 @!p0 $0xAC00  }
0x97: {  	(v2sf) =	vpush v8, $0xF;
	[hbm4b:s3+s0] =	stream.indirect_vreg.scatter @!p0 [tilespmem:s16], [sflag:$0x9], $0x80, v7, vm2, $0xb8;
	[tilespmem:$0x1EC00] =	vst v63  }
0x98: {  	v8, _, _ =	vpop (xrf0);
	s16 =	simm.s32 @!p0 $0xB400  }
0x99: {  	(v2sf) =	vpush v8, $0xF;
	[hbm4b:s6+s0] =	stream.indirect_vreg.scatter @!p0 [tilespmem:s16], [sflag:$0x9], $0x80, v7, vm2, $0xb8;
	[tilespmem:$0x1EC00] =	vst v63  }
0x9a: {  	s16 =	simm.s32 @!p0 $0xBC00  }
0x9b: {  	[hbm4b:s7+s0] =	stream.indirect_vreg.scatter @!p0 [tilespmem:s16], [sflag:$0x9], $0x80, v7, vm2, $0xb8;
	[tilespmem:$0x1EC00] =	vst v63  }
0x9c: {  	s16 =	simm.s32 @!p0 $0xC400  }
0x9d: {  	[hbm4b:s8+s0] =	stream.indirect_vreg.scatter @!p0 [tilespmem:s16], [sflag:$0x9], $0x80, v7, vm2, $0xb8;
	[tilespmem:$0x1EC00] =	vst v63  }
0x9e: {  	s16 =	simm.s32 @!p0 $0xCC00  }
0x9f: {  	[hbm4b:s9+s0] =	stream.indirect_vreg.scatter @!p0 [tilespmem:s16], [sflag:$0x9], $0x80, v7, vm2, $0xb8;
	[tilespmem:$0x1EC00] =	vst v63  }
0xa0: {  	s16 =	simm.s32 @!p0 $0xD400  }
0xa1: {  	[hbm4b:s10+s0] =	stream.indirect_vreg.scatter @!p0 [tilespmem:s16], [sflag:$0x9], $0x80, v7, vm2, $0xb8;
	[tilespmem:$0x1EC00] =	vst v63  }
0xa2: {  	s16 =	simm.s32 @!p0 $0xDC00  }
0xa3: {  	[hbm4b:s11+s0] =	stream.indirect_vreg.scatter @!p0 [tilespmem:s16], [sflag:$0x9], $0x80, v7, vm2, $0xb8;
	[tilespmem:$0x1EC00] =	vst v63  }
0xa4: {  	s16 =	simm.s32 @!p0 $0xE400  }
0xa5: {  	[hbm4b:s12+s0] =	stream.indirect_vreg.scatter @!p0 [tilespmem:s16], [sflag:$0x9], $0x80, v7, vm2, $0xb8;
	[tilespmem:$0x1EC00] =	vst v63  }
0xa6: {  	s25 =	sadd.s32 $0x40, s25;
	s0 =	spop (v2sf)  }
0xa7: {  	p1 =	sne.s32 s25, $0x1000;
	s16 =	smov.u32 s18;
	s18 =	sxor.u32 $0x80000000, s0  }
.Ltmp3:
0xa8: {  	s0 =	smov.u32 s17;
	s17 =	spop (v2sf);
	(pc) =	sbr.rel @p1 .LBB2_4-.Ltmp3, $4  }
0xa9: {  	p0 =	slt.s32 s16, s18;
	s17 =	sxor.u32 $0x80000000, s17  }
0xaa: {  	s18 =	smov.u32 @p0 s16;
	p0 =	slt.s32 s0, s17;
	s16 =	sadd.s32 $0x2, s31  }
0xab: {  	s17 =	smov.u32 @p0 s0;
	p0 =	slt.s32 s30, s16;
	s31 =	smov.u32 s16  }
0xac: {  	s26 =	sadd.s32 $0x10, s26;
	s15 =	sadd.s32 s15, s29;
	s31 =	smov.u32 @p0 s30  }
0xad: {  	v7 =	vadd.s32 s15, v1  }
0xae: {  	s0 =	sadd.s32 $0x10, s15;
	v8 =	vshll.u32 v7, $0x4  }
0xaf: {  	v9 =	vadd.s32 s0, v1;
	v7 =	vand.u32 $0x7, v7;
	v8 =	vand.u32 $0xFFFFFF80, v8  }
0xb0: {  	v10 =	vadd.s32 s19, v1;
	v7 =	vor.u32 v7, v8;
	v8 =	vshll.u32 v9, $0x4  }
0xb1: {  	s25 =	sadd.s32 $0x1F, s28;
	v11 =	vshll.u32 v10, $0x3;
	v9 =	vand.u32 $0x7, v9;
	v8 =	vand.u32 $0xFFFFFF80, v8  }
0xb2: {  	v61 =	vand.u32 $0xF, v10;
	s25 =	sshrl.u32 s25, $0x4;
	v62 =	vand.u32 $0xFFFFFF80, v11;
	v8 =	vor.u32 v9, v8  }
0xb3: {  	p0 =	sge.s32 s31, s25;
	v9 =	vor.u32 v61, v62  }
.Ltmp4:
0xb4: {  	_ = 	snop;
	(pc) =	sbr.rel @p0 .LBB2_9-.Ltmp4, $4  }
0xb5: {  	v63 =	vmov s18;
	s26 =	simm.s32 $0x400  }
0xb6: {  	[tilespmem:v7+s26+$0x0] =	vst.idx.msk $0xffff, v63  }
0xb7: {  	s30 =	simm.s32 $0x4800;
	s29 =	rddreg [dreg:$0xc];
	v7 =	vmov s17;
	[tilespmem:v8+s26+$0x0] =	vst.idx.msk $0xffff, v63  }
0xb8: {  	s31 =	simm.s32 $0x7C00;
	[dreg:$0x10] =	wrdreg s25;
	[tilespmem:v9+s30+$0x0] =	vst.idx.msk $0xffff, v7  }
0xb9: {  	s0 =	sadd.s32 $0x10, s28  }
0xba: {  	s0 =	sshrl.u32 s0, $0x4  }
0xbb: {  	p0 =	slt.s32 s0, s16  }
0xbc: {  	s16 =	smov.u32 @p0 s0  }
0xbd: {  	s0 =	sshll.u32 s16, $0x9  }
0xbe: {  	s0 =	sshra.s32 s0, $0x2  }
0xbf: {  	s17 =	sadd.s32 $0x4800, s0  }
0xc0: {  	v7 =	vld [tilespmem:s17+$0x0];
	_ =	sdelay $0x4  }
0xc1: {  	v8 =	vshll.u32 v7, $0x4  }
0xc2: {  	v7 =	vand.u32 $0x7, v7;
	v8 =	vand.u32 $0xFFFFFF80, v8  }
0xc3: {  	v7 =	vor.u32 v7, v8  }
0xc4: {  	v8 =	vperm.xlane v7, v4;
	_ =	sdelay $0x1  }
0xc5: {  	v8 =	vadd.s32 v5, v8;
	_ =	sdelay $0x3  }
0xc6: {  	s0 =	simm.s32 $0x6C00  }
0xc7: {  	[hbm4b:s3+s4] =	stream.indirect_vreg.scatter [tilespmem:s0], [sflag:$0x9], $0x80, v8, vm0, $0xb8;
	[tilespmem:$0x1EC00] =	vst v63  }
0xc8: {  	s28 =	simm.s32 $0x7400  }
0xc9: {  	[hbm4b:s6+s4] =	stream.indirect_vreg.scatter [tilespmem:s28], [sflag:$0x9], $0x80, v8, vm0, $0xb8;
	[tilespmem:$0x1EC00] =	vst v63  }
0xca: {  	_ = 	snop  }
0xcb: {  	[hbm4b:s7+s4] =	stream.indirect_vreg.scatter [tilespmem:s31], [sflag:$0x9], $0x80, v8, vm0, $0xb8;
	[tilespmem:$0x1EC00] =	vst v63  }
0xcc: {  	s18 =	simm.s32 $0x8400  }
0xcd: {  	[hbm4b:s8+s4] =	stream.indirect_vreg.scatter [tilespmem:s18], [sflag:$0x9], $0x80, v8, vm0, $0xb8;
	[tilespmem:$0x1EC00] =	vst v63  }
0xce: {  	s19 =	simm.s32 $0x8C00  }
0xcf: {  	[hbm4b:s9+s4] =	stream.indirect_vreg.scatter [tilespmem:s19], [sflag:$0x9], $0x80, v8, vm0, $0xb8;
	[tilespmem:$0x1EC00] =	vst v63  }
0xd0: {  	s16 =	ssub.s32 s25, s16;
	s25 =	simm.s32 $0x9400;
	v7 =	vperm.xlane v7, v6  }
0xd1: {  	[hbm4b:s10+s4] =	stream.indirect_vreg.scatter [tilespmem:s25], [sflag:$0x9], $0x80, v8, vm0, $0xb8;
	[tilespmem:$0x1EC00] =	vst v63  }
0xd2: {  	s26 =	simm.s32 $0x9C00;
	v7 =	vadd.s32 v5, v7  }
0xd3: {  	[hbm4b:s11+s4] =	stream.indirect_vreg.scatter [tilespmem:s26], [sflag:$0x9], $0x80, v8, vm0, $0xb8;
	[tilespmem:$0x1EC00] =	vst v63  }
0xd4: {  	_ = 	snop  }
0xd5: {  	[hbm4b:s12+s4] =	stream.indirect_vreg.scatter [tilespmem:s2], [sflag:$0x9], $0x80, v8, vm0, $0xb8;
	[tilespmem:$0x1EC00] =	vst v63  }
0xd6: {  	_ = 	snop  }
0xd7: {  	[hbm4b:s3+s4] =	stream.indirect_vreg.scatter [tilespmem:s5], [sflag:$0x9], $0x80, v7, vm0, $0xb8;
	[tilespmem:$0x1EC00] =	vst v63  }
0xd8: {  	_ = 	snop  }
0xd9: {  	[hbm4b:s6+s4] =	stream.indirect_vreg.scatter [tilespmem:s20], [sflag:$0x9], $0x80, v7, vm0, $0xb8;
	[tilespmem:$0x1EC00] =	vst v63  }
0xda: {  	_ = 	snop  }
0xdb: {  	[hbm4b:s7+s4] =	stream.indirect_vreg.scatter [tilespmem:s21], [sflag:$0x9], $0x80, v7, vm0, $0xb8;
	[tilespmem:$0x1EC00] =	vst v63  }
0xdc: {  	_ = 	snop  }
0xdd: {  	[hbm4b:s8+s4] =	stream.indirect_vreg.scatter [tilespmem:s22], [sflag:$0x9], $0x80, v7, vm0, $0xb8;
	[tilespmem:$0x1EC00] =	vst v63  }
0xde: {  	p0 =	seq.s32 s16, $0x1  }
0xdf: {  	[hbm4b:s9+s4] =	stream.indirect_vreg.scatter [tilespmem:s24], [sflag:$0x9], $0x80, v7, vm0, $0xb8;
	[tilespmem:$0x1EC00] =	vst v63  }
.Ltmp5:
0xe0: {  	_ = 	snop;
	(pc) =	sbr.rel @p0 .LBB2_8-.Ltmp5, $4  }
0xe1: {  	_ = 	snop  }
0xe2: {  	[hbm4b:s10+s4] =	stream.indirect_vreg.scatter [tilespmem:s23], [sflag:$0x9], $0x80, v7, vm0, $0xb8;
	[tilespmem:$0x1EC00] =	vst v63  }
0xe3: {  	s16 =	sadd.s32 $0xFFFFFFFF, s16;
	s17 =	sadd.s32 $0x80, s17  }
0xe4: {  	[hbm4b:s11+s4] =	stream.indirect_vreg.scatter [tilespmem:s1], [sflag:$0x9], $0x80, v7, vm0, $0xb8;
	[tilespmem:$0x1EC00] =	vst v63  }
.LBB2_7:
0xe5: {  	[hbm4b:s12+s4] =	stream.indirect_vreg.scatter [tilespmem:s13], [sflag:$0x9], $0x80, v7, vm0, $0xb8;
	[tilespmem:$0x1EC00] =	vst v63  }
0xe6: {  	p0 =	seq.s32 s16, $0x1;
	s16 =	sadd.s32 $0xFFFFFFFF, s16;
	v7 =	vld [tilespmem:s17+$0x0];
	_ =	sdelay $0x4  }
0xe7: {  	v8 =	vshll.u32 v7, $0x4  }
0xe8: {  	v7 =	vand.u32 $0x7, v7;
	v8 =	vand.u32 $0xFFFFFF80, v8  }
0xe9: {  	v7 =	vor.u32 v7, v8  }
0xea: {  	v8 =	vperm.xlane v7, v4;
	v7 =	vperm.xlane v7, v6;
	_ =	sdelay $0x1  }
0xeb: {  	v8 =	vadd.s32 v5, v8;
	_ =	sdelay $0x4  }
0xec: {  	[hbm4b:s3+s4] =	stream.indirect_vreg.scatter [tilespmem:s0], [sflag:$0x9], $0x80, v8, vm0, $0xb8;
	[tilespmem:$0x1EC00] =	vst v63  }
0xed: {  	_ = 	snop  }
0xee: {  	[hbm4b:s6+s4] =	stream.indirect_vreg.scatter [tilespmem:s28], [sflag:$0x9], $0x80, v8, vm0, $0xb8;
	[tilespmem:$0x1EC00] =	vst v63  }
0xef: {  	_ = 	snop  }
0xf0: {  	[hbm4b:s7+s4] =	stream.indirect_vreg.scatter [tilespmem:s31], [sflag:$0x9], $0x80, v8, vm0, $0xb8;
	[tilespmem:$0x1EC00] =	vst v63  }
0xf1: {  	_ = 	snop  }
0xf2: {  	[hbm4b:s8+s4] =	stream.indirect_vreg.scatter [tilespmem:s18], [sflag:$0x9], $0x80, v8, vm0, $0xb8;
	[tilespmem:$0x1EC00] =	vst v63  }
0xf3: {  	_ = 	snop  }
0xf4: {  	[hbm4b:s9+s4] =	stream.indirect_vreg.scatter [tilespmem:s19], [sflag:$0x9], $0x80, v8, vm0, $0xb8;
	[tilespmem:$0x1EC00] =	vst v63  }
0xf5: {  	_ = 	snop  }
0xf6: {  	[hbm4b:s10+s4] =	stream.indirect_vreg.scatter [tilespmem:s25], [sflag:$0x9], $0x80, v8, vm0, $0xb8;
	[tilespmem:$0x1EC00] =	vst v63  }
0xf7: {  	v7 =	vadd.s32 v5, v7  }
0xf8: {  	[hbm4b:s11+s4] =	stream.indirect_vreg.scatter [tilespmem:s26], [sflag:$0x9], $0x80, v8, vm0, $0xb8;
	[tilespmem:$0x1EC00] =	vst v63  }
0xf9: {  	_ = 	snop  }
0xfa: {  	[hbm4b:s12+s4] =	stream.indirect_vreg.scatter [tilespmem:s2], [sflag:$0x9], $0x80, v8, vm0, $0xb8;
	[tilespmem:$0x1EC00] =	vst v63  }
0xfb: {  	_ = 	snop  }
0xfc: {  	[hbm4b:s3+s4] =	stream.indirect_vreg.scatter [tilespmem:s5], [sflag:$0x9], $0x80, v7, vm0, $0xb8;
	[tilespmem:$0x1EC00] =	vst v63  }
0xfd: {  	_ = 	snop  }
0xfe: {  	[hbm4b:s6+s4] =	stream.indirect_vreg.scatter [tilespmem:s20], [sflag:$0x9], $0x80, v7, vm0, $0xb8;
	[tilespmem:$0x1EC00] =	vst v63  }
0xff: {  	_ = 	snop  }
0x100: {  	[hbm4b:s7+s4] =	stream.indirect_vreg.scatter [tilespmem:s21], [sflag:$0x9], $0x80, v7, vm0, $0xb8;
	[tilespmem:$0x1EC00] =	vst v63  }
0x101: {  	_ = 	snop  }
0x102: {  	[hbm4b:s8+s4] =	stream.indirect_vreg.scatter [tilespmem:s22], [sflag:$0x9], $0x80, v7, vm0, $0xb8;
	[tilespmem:$0x1EC00] =	vst v63  }
0x103: {  	_ = 	snop  }
0x104: {  	[hbm4b:s9+s4] =	stream.indirect_vreg.scatter [tilespmem:s24], [sflag:$0x9], $0x80, v7, vm0, $0xb8;
	[tilespmem:$0x1EC00] =	vst v63  }
.Ltmp6:
0x105: {  	(pc) =	sbr.rel @!p0 .LBB2_7-.Ltmp6, $4  }
0x106: {  	[hbm4b:s10+s4] =	stream.indirect_vreg.scatter [tilespmem:s23], [sflag:$0x9], $0x80, v7, vm0, $0xb8;
	[tilespmem:$0x1EC00] =	vst v63  }
0x107: {  	_ = 	snop  }
0x108: {  	[hbm4b:s11+s4] =	stream.indirect_vreg.scatter [tilespmem:s1], [sflag:$0x9], $0x80, v7, vm0, $0xb8;
	[tilespmem:$0x1EC00] =	vst v63  }
0x109: {  	s17 =	sadd.s32 $0x80, s17  }
.LBB2_8:
0x10a: {  	_ =	sdelay $0x3  }
0x10b: {  	[hbm4b:s12+s4] =	stream.indirect_vreg.scatter [tilespmem:s13], [sflag:$0x9], $0x80, v7, vm0, $0xb8;
	[tilespmem:$0x1EC00] =	vst v63  }
0x10c: {  	s25 =	rddreg [dreg:$0x10]  }
.LBB2_9:
0x10d: {  	s0 =	sadd.s32 $0x1F, s15  }
0x10e: {  	s15 =	sshrl.u32 s0, $0x5  }
0x10f: {  	p0 =	seq.s32 s15, $0x0  }
.Ltmp7:
0x110: {  	_ = 	snop;
	(pc) =	sbr.rel @p0 .LBB2_13-.Ltmp7, $2  }
0x111: {  	_ =	sdelay $0x2  }
0x112: {  	s17 =	rddreg [dreg:$0xa]  }
0x113: {  	s26 =	rddreg [dreg:$0x6]  }
0x114: {  	s19 =	rddreg [dreg:$0x7]  }
0x115: {  	s31 =	rddreg [dreg:$0x8]  }
0x116: {  	s18 =	rddreg [dreg:$0x9]  }
0x117: {  	s0 =	ssub.s32 $0x0, s15;
	s15 =	simm.s32 $0x0;
	s30 =	rddreg [dreg:$0xb]  }
0x118: {  	s16 =	simm.s32 $0x500;
	s28 =	smov.u32 s17;
	[dreg:$0x4] =	wrdreg s0  }
.LBB2_11:
0x119: {  	p0 =	seq.s32 s15, $0x0  }
0x11a: {  	s0 =	simm.s32 @!p0 $0x5  }
0x11b: {  	_ =	swait.ge @!p0 [sflag:s0], $0x4000  }
0x11c: {  	[sflag:s0] =	ssyncset.done @!p0 $0x0  }
0x11d: {  	[sflag:s0] =	ssyncadd.s32 @!p0 $0xFFFFC000;
	s0 =	simm.s32 @!p0 $0x6  }
0x11e: {  	_ =	swait.ge @!p0 [sflag:s0], $0x4000  }
0x11f: {  	[sflag:s0] =	ssyncset.done @!p0 $0x0  }
0x120: {  	[sflag:s0] =	ssyncadd.s32 @!p0 $0xFFFFC000;
	s0 =	simm.s32 @!p0 $0x7  }
0x121: {  	_ =	swait.ge @!p0 [sflag:s0], $0x4000  }
0x122: {  	[sflag:s0] =	ssyncset.done @!p0 $0x0  }
0x123: {  	[sflag:s0] =	ssyncadd.s32 @!p0 $0xFFFFC000;
	s0 =	simm.s32 @!p0 $0x8  }
0x124: {  	_ =	swait.ge @!p0 [sflag:s0], $0x4000  }
0x125: {  	[sflag:s0] =	ssyncset.done @!p0 $0x0  }
0x126: {  	[sflag:s0] =	ssyncadd.s32 @!p0 $0xFFFFC000  }
0x127: {  	v7 =	vld.msk [tilespmem:s16+$0xFFFFFF00], $0xff;
	_ =	sdelay $0x4  }
0x128: {  	v8 =	vshll.u32 v7, $0x4  }
0x129: {  	v7 =	vand.u32 $0x7, v7;
	v8 =	vand.u32 $0xFFFFFF80, v8  }
0x12a: {  	v7 =	vor.u32 v7, v8  }
0x12b: {  	v7 =	vperm.xlane v7, v4;
	_ =	sdelay $0x1  }
0x12c: {  	v7 =	vadd.s32 v5, v7;
	_ =	sdelay $0x3  }
0x12d: {  	s0 =	simm.s32 $0xEC00;
	s17 =	rddreg [dreg:$0x0]  }
0x12e: {  	[tilespmem:s0], [sflag:$0x1] =	stream.indirect_vreg.gather [hbm4b:s17+s4], $0x80, v7, vm0, $0xb8;
	[tilespmem:$0x1EC00] =	vst v63  }
0x12f: {  	s25 =	simm.s32 $0xF400  }
0x130: {  	[tilespmem:s25], [sflag:$0x1] =	stream.indirect_vreg.gather [hbm4b:s26+s4], $0x80, v7, vm0, $0xb8;
	[tilespmem:$0x1EC00] =	vst v63  }
0x131: {  	s25 =	simm.s32 $0xFC00  }
0x132: {  	[tilespmem:s25], [sflag:$0x1] =	stream.indirect_vreg.gather [hbm4b:s19+s4], $0x80, v7, vm0, $0xb8;
	[tilespmem:$0x1EC00] =	vst v63  }
0x133: {  	s25 =	simm.s32 $0x10400  }
0x134: {  	[tilespmem:s25], [sflag:$0x1] =	stream.indirect_vreg.gather [hbm4b:s31+s4], $0x80, v7, vm0, $0xb8;
	[tilespmem:$0x1EC00] =	vst v63  }
0x135: {  	s25 =	simm.s32 $0x10C00  }
0x136: {  	[tilespmem:s25], [sflag:$0x1] =	stream.indirect_vreg.gather [hbm4b:s18+s4], $0x80, v7, vm0, $0xb8;
	[tilespmem:$0x1EC00] =	vst v63  }
0x137: {  	s25 =	simm.s32 $0x11400  }
0x138: {  	[tilespmem:s25], [sflag:$0x1] =	stream.indirect_vreg.gather [hbm4b:s28+s4], $0x80, v7, vm0, $0xb8;
	[tilespmem:$0x1EC00] =	vst v63  }
0x139: {  	s25 =	simm.s32 $0x11C00  }
0x13a: {  	[tilespmem:s25], [sflag:$0x1] =	stream.indirect_vreg.gather [hbm4b:s30+s4], $0x80, v7, vm0, $0xb8;
	[tilespmem:$0x1EC00] =	vst v63  }
0x13b: {  	s25 =	simm.s32 $0x12400  }
0x13c: {  	[tilespmem:s25], [sflag:$0x1] =	stream.indirect_vreg.gather [hbm4b:s29+s4], $0x80, v7, vm0, $0xb8;
	[tilespmem:$0x1EC00] =	vst v63  }
0x13d: {  	v7 =	vld.msk [tilespmem:s16+$0xFFFFFF80], $0xff;
	_ =	sdelay $0x4  }
0x13e: {  	v8 =	vshll.u32 v7, $0x4  }
0x13f: {  	v7 =	vand.u32 $0x7, v7;
	v8 =	vand.u32 $0xFFFFFF80, v8  }
0x140: {  	v7 =	vor.u32 v7, v8  }
0x141: {  	v7 =	vperm.xlane v7, v4;
	_ =	sdelay $0x1  }
0x142: {  	v7 =	vadd.s32 v5, v7;
	_ =	sdelay $0x3  }
0x143: {  	s25 =	simm.s32 $0x12C00  }
0x144: {  	[tilespmem:s25], [sflag:$0x2] =	stream.indirect_vreg.gather [hbm4b:s17+s4], $0x80, v7, vm0, $0xb8;
	[tilespmem:$0x1EC00] =	vst v63  }
0x145: {  	s25 =	simm.s32 $0x13400  }
0x146: {  	[tilespmem:s25], [sflag:$0x2] =	stream.indirect_vreg.gather [hbm4b:s26+s4], $0x80, v7, vm0, $0xb8;
	[tilespmem:$0x1EC00] =	vst v63  }
0x147: {  	s25 =	simm.s32 $0x13C00  }
0x148: {  	[tilespmem:s25], [sflag:$0x2] =	stream.indirect_vreg.gather [hbm4b:s19+s4], $0x80, v7, vm0, $0xb8;
	[tilespmem:$0x1EC00] =	vst v63  }
0x149: {  	s25 =	simm.s32 $0x14400  }
0x14a: {  	[tilespmem:s25], [sflag:$0x2] =	stream.indirect_vreg.gather [hbm4b:s31+s4], $0x80, v7, vm0, $0xb8;
	[tilespmem:$0x1EC00] =	vst v63  }
0x14b: {  	s25 =	simm.s32 $0x14C00  }
0x14c: {  	[tilespmem:s25], [sflag:$0x2] =	stream.indirect_vreg.gather [hbm4b:s18+s4], $0x80, v7, vm0, $0xb8;
	[tilespmem:$0x1EC00] =	vst v63  }
0x14d: {  	s25 =	simm.s32 $0x15400  }
0x14e: {  	[tilespmem:s25], [sflag:$0x2] =	stream.indirect_vreg.gather [hbm4b:s28+s4], $0x80, v7, vm0, $0xb8;
	[tilespmem:$0x1EC00] =	vst v63  }
0x14f: {  	s25 =	simm.s32 $0x15C00  }
0x150: {  	[tilespmem:s25], [sflag:$0x2] =	stream.indirect_vreg.gather [hbm4b:s30+s4], $0x80, v7, vm0, $0xb8;
	[tilespmem:$0x1EC00] =	vst v63  }
0x151: {  	s25 =	simm.s32 $0x16400  }
0x152: {  	[tilespmem:s25], [sflag:$0x2] =	stream.indirect_vreg.gather [hbm4b:s29+s4], $0x80, v7, vm0, $0xb8;
	[tilespmem:$0x1EC00] =	vst v63  }
0x153: {  	v7 =	vld.msk [tilespmem:s16+$0x0], $0xff;
	_ =	sdelay $0x4  }
0x154: {  	v8 =	vshll.u32 v7, $0x4  }
0x155: {  	v7 =	vand.u32 $0x7, v7;
	v8 =	vand.u32 $0xFFFFFF80, v8  }
0x156: {  	v7 =	vor.u32 v7, v8  }
0x157: {  	v7 =	vperm.xlane v7, v4;
	_ =	sdelay $0x1  }
0x158: {  	v7 =	vadd.s32 v5, v7;
	_ =	sdelay $0x3  }
0x159: {  	s25 =	simm.s32 $0x16C00  }
0x15a: {  	[tilespmem:s25], [sflag:$0x3] =	stream.indirect_vreg.gather [hbm4b:s17+s4], $0x80, v7, vm0, $0xb8;
	[tilespmem:$0x1EC00] =	vst v63  }
0x15b: {  	s25 =	simm.s32 $0x17400  }
0x15c: {  	[tilespmem:s25], [sflag:$0x3] =	stream.indirect_vreg.gather [hbm4b:s26+s4], $0x80, v7, vm0, $0xb8;
	[tilespmem:$0x1EC00] =	vst v63  }
0x15d: {  	s25 =	simm.s32 $0x17C00  }
0x15e: {  	[tilespmem:s25], [sflag:$0x3] =	stream.indirect_vreg.gather [hbm4b:s19+s4], $0x80, v7, vm0, $0xb8;
	[tilespmem:$0x1EC00] =	vst v63  }
0x15f: {  	s25 =	simm.s32 $0x18400  }
0x160: {  	[tilespmem:s25], [sflag:$0x3] =	stream.indirect_vreg.gather [hbm4b:s31+s4], $0x80, v7, vm0, $0xb8;
	[tilespmem:$0x1EC00] =	vst v63  }
0x161: {  	s25 =	simm.s32 $0x18C00  }
0x162: {  	[tilespmem:s25], [sflag:$0x3] =	stream.indirect_vreg.gather [hbm4b:s18+s4], $0x80, v7, vm0, $0xb8;
	[tilespmem:$0x1EC00] =	vst v63  }
0x163: {  	s25 =	simm.s32 $0x19400  }
0x164: {  	[tilespmem:s25], [sflag:$0x3] =	stream.indirect_vreg.gather [hbm4b:s28+s4], $0x80, v7, vm0, $0xb8;
	[tilespmem:$0x1EC00] =	vst v63  }
0x165: {  	s25 =	simm.s32 $0x19C00  }
0x166: {  	[tilespmem:s25], [sflag:$0x3] =	stream.indirect_vreg.gather [hbm4b:s30+s4], $0x80, v7, vm0, $0xb8;
	[tilespmem:$0x1EC00] =	vst v63  }
0x167: {  	s25 =	simm.s32 $0x1A400  }
0x168: {  	[tilespmem:s25], [sflag:$0x3] =	stream.indirect_vreg.gather [hbm4b:s29+s4], $0x80, v7, vm0, $0xb8;
	[tilespmem:$0x1EC00] =	vst v63  }
0x169: {  	v7 =	vld.msk [tilespmem:s16+$0x80], $0xff;
	_ =	sdelay $0x4  }
0x16a: {  	v8 =	vshll.u32 v7, $0x4  }
0x16b: {  	v7 =	vand.u32 $0x7, v7;
	v8 =	vand.u32 $0xFFFFFF80, v8  }
0x16c: {  	v7 =	vor.u32 v7, v8  }
0x16d: {  	v7 =	vperm.xlane v7, v4;
	_ =	sdelay $0x1  }
0x16e: {  	v7 =	vadd.s32 v5, v7;
	_ =	sdelay $0x3  }
0x16f: {  	s25 =	simm.s32 $0x1AC00  }
0x170: {  	[tilespmem:s25], [sflag:$0x4] =	stream.indirect_vreg.gather [hbm4b:s17+s4], $0x80, v7, vm0, $0xb8;
	[tilespmem:$0x1EC00] =	vst v63  }
0x171: {  	s25 =	simm.s32 $0x1B400  }
0x172: {  	[tilespmem:s25], [sflag:$0x4] =	stream.indirect_vreg.gather [hbm4b:s26+s4], $0x80, v7, vm0, $0xb8;
	[tilespmem:$0x1EC00] =	vst v63  }
0x173: {  	s17 =	simm.s32 $0x1BC00  }
0x174: {  	[tilespmem:s17], [sflag:$0x4] =	stream.indirect_vreg.gather [hbm4b:s19+s4], $0x80, v7, vm0, $0xb8;
	[tilespmem:$0x1EC00] =	vst v63  }
0x175: {  	s17 =	simm.s32 $0x1C400  }
0x176: {  	[tilespmem:s17], [sflag:$0x4] =	stream.indirect_vreg.gather [hbm4b:s31+s4], $0x80, v7, vm0, $0xb8;
	[tilespmem:$0x1EC00] =	vst v63  }
0x177: {  	s17 =	simm.s32 $0x1CC00  }
0x178: {  	[tilespmem:s17], [sflag:$0x4] =	stream.indirect_vreg.gather [hbm4b:s18+s4], $0x80, v7, vm0, $0xb8;
	[tilespmem:$0x1EC00] =	vst v63  }
0x179: {  	s17 =	simm.s32 $0x1D400  }
0x17a: {  	[tilespmem:s17], [sflag:$0x4] =	stream.indirect_vreg.gather [hbm4b:s28+s4], $0x80, v7, vm0, $0xb8;
	[tilespmem:$0x1EC00] =	vst v63  }
0x17b: {  	s17 =	simm.s32 $0x1DC00  }
0x17c: {  	[tilespmem:s17], [sflag:$0x4] =	stream.indirect_vreg.gather [hbm4b:s30+s4], $0x80, v7, vm0, $0xb8;
	[tilespmem:$0x1EC00] =	vst v63  }
0x17d: {  	s17 =	simm.s32 $0x1E400  }
0x17e: {  	[tilespmem:s17], [sflag:$0x4] =	stream.indirect_vreg.gather [hbm4b:s29+s4], $0x80, v7, vm0, $0xb8;
	[tilespmem:$0x1EC00] =	vst v63  }
0x17f: {  	s17 =	simm.s32 $0x1  }
0x180: {  	_ =	swait.ge [sflag:s17], $0x4000  }
0x181: {  	[sflag:s17] =	ssyncset.done $0x0  }
0x182: {  	[sflag:s17] =	ssyncadd.s32 $0xFFFFC000  }
0x183: {  	v7 =	vld.msk [tilespmem:s16+$0xFFFFFF00], $0xff;
	_ =	sdelay $0x4  }
0x184: {  	v8 =	vshll.u32 v7, $0x4  }
0x185: {  	v7 =	vand.u32 $0x7, v7;
	v8 =	vand.u32 $0xFFFFFF80, v8  }
0x186: {  	v7 =	vor.u32 v7, v8  }
0x187: {  	v7 =	vperm.xlane v7, v4;
	_ =	sdelay $0x1  }
0x188: {  	v7 =	vadd.s32 v5, v7;
	_ =	sdelay $0x4  }
0x189: {  	[hbm4b:s3+s4] =	stream.indirect_vreg.scatter [tilespmem:s0], [sflag:$0x5], $0x80, v7, vm0, $0xb8;
	[tilespmem:$0x1EC00] =	vst v63  }
0x18a: {  	s17 =	simm.s32 $0xF400  }
0x18b: {  	[hbm4b:s6+s4] =	stream.indirect_vreg.scatter [tilespmem:s17], [sflag:$0x5], $0x80, v7, vm0, $0xb8;
	[tilespmem:$0x1EC00] =	vst v63  }
0x18c: {  	s17 =	simm.s32 $0xFC00  }
0x18d: {  	[hbm4b:s7+s4] =	stream.indirect_vreg.scatter [tilespmem:s17], [sflag:$0x5], $0x80, v7, vm0, $0xb8;
	[tilespmem:$0x1EC00] =	vst v63  }
0x18e: {  	s17 =	simm.s32 $0x10400  }
0x18f: {  	[hbm4b:s8+s4] =	stream.indirect_vreg.scatter [tilespmem:s17], [sflag:$0x5], $0x80, v7, vm0, $0xb8;
	[tilespmem:$0x1EC00] =	vst v63  }
0x190: {  	s17 =	simm.s32 $0x10C00  }
0x191: {  	[hbm4b:s9+s4] =	stream.indirect_vreg.scatter [tilespmem:s17], [sflag:$0x5], $0x80, v7, vm0, $0xb8;
	[tilespmem:$0x1EC00] =	vst v63  }
0x192: {  	s17 =	simm.s32 $0x11400  }
0x193: {  	[hbm4b:s10+s4] =	stream.indirect_vreg.scatter [tilespmem:s17], [sflag:$0x5], $0x80, v7, vm0, $0xb8;
	[tilespmem:$0x1EC00] =	vst v63  }
0x194: {  	s17 =	simm.s32 $0x11C00  }
0x195: {  	[hbm4b:s11+s4] =	stream.indirect_vreg.scatter [tilespmem:s17], [sflag:$0x5], $0x80, v7, vm0, $0xb8;
	[tilespmem:$0x1EC00] =	vst v63  }
0x196: {  	s17 =	simm.s32 $0x12400  }
0x197: {  	[hbm4b:s12+s4] =	stream.indirect_vreg.scatter [tilespmem:s17], [sflag:$0x5], $0x80, v7, vm0, $0xb8;
	[tilespmem:$0x1EC00] =	vst v63  }
0x198: {  	s17 =	simm.s32 $0x2  }
0x199: {  	_ =	swait.ge [sflag:s17], $0x4000  }
0x19a: {  	[sflag:s17] =	ssyncset.done $0x0  }
0x19b: {  	[sflag:s17] =	ssyncadd.s32 $0xFFFFC000  }
0x19c: {  	v7 =	vld.msk [tilespmem:s16+$0xFFFFFF80], $0xff;
	_ =	sdelay $0x4  }
0x19d: {  	v8 =	vshll.u32 v7, $0x4  }
0x19e: {  	v7 =	vand.u32 $0x7, v7;
	v8 =	vand.u32 $0xFFFFFF80, v8  }
0x19f: {  	v7 =	vor.u32 v7, v8  }
0x1a0: {  	v7 =	vperm.xlane v7, v4;
	_ =	sdelay $0x1  }
0x1a1: {  	v7 =	vadd.s32 v5, v7;
	_ =	sdelay $0x3  }
0x1a2: {  	s17 =	simm.s32 $0x12C00  }
0x1a3: {  	[hbm4b:s3+s4] =	stream.indirect_vreg.scatter [tilespmem:s17], [sflag:$0x6], $0x80, v7, vm0, $0xb8;
	[tilespmem:$0x1EC00] =	vst v63  }
0x1a4: {  	s17 =	simm.s32 $0x13400  }
0x1a5: {  	[hbm4b:s6+s4] =	stream.indirect_vreg.scatter [tilespmem:s17], [sflag:$0x6], $0x80, v7, vm0, $0xb8;
	[tilespmem:$0x1EC00] =	vst v63  }
0x1a6: {  	s17 =	simm.s32 $0x13C00  }
0x1a7: {  	[hbm4b:s7+s4] =	stream.indirect_vreg.scatter [tilespmem:s17], [sflag:$0x6], $0x80, v7, vm0, $0xb8;
	[tilespmem:$0x1EC00] =	vst v63  }
0x1a8: {  	s17 =	simm.s32 $0x14400  }
0x1a9: {  	[hbm4b:s8+s4] =	stream.indirect_vreg.scatter [tilespmem:s17], [sflag:$0x6], $0x80, v7, vm0, $0xb8;
	[tilespmem:$0x1EC00] =	vst v63  }
0x1aa: {  	s17 =	simm.s32 $0x14C00  }
0x1ab: {  	[hbm4b:s9+s4] =	stream.indirect_vreg.scatter [tilespmem:s17], [sflag:$0x6], $0x80, v7, vm0, $0xb8;
	[tilespmem:$0x1EC00] =	vst v63  }
0x1ac: {  	s17 =	simm.s32 $0x15400  }
0x1ad: {  	[hbm4b:s10+s4] =	stream.indirect_vreg.scatter [tilespmem:s17], [sflag:$0x6], $0x80, v7, vm0, $0xb8;
	[tilespmem:$0x1EC00] =	vst v63  }
0x1ae: {  	s17 =	simm.s32 $0x15C00  }
0x1af: {  	[hbm4b:s11+s4] =	stream.indirect_vreg.scatter [tilespmem:s17], [sflag:$0x6], $0x80, v7, vm0, $0xb8;
	[tilespmem:$0x1EC00] =	vst v63  }
0x1b0: {  	s17 =	simm.s32 $0x16400  }
0x1b1: {  	[hbm4b:s12+s4] =	stream.indirect_vreg.scatter [tilespmem:s17], [sflag:$0x6], $0x80, v7, vm0, $0xb8;
	[tilespmem:$0x1EC00] =	vst v63  }
0x1b2: {  	s17 =	simm.s32 $0x3  }
0x1b3: {  	_ =	swait.ge [sflag:s17], $0x4000  }
0x1b4: {  	[sflag:s17] =	ssyncset.done $0x0  }
0x1b5: {  	[sflag:s17] =	ssyncadd.s32 $0xFFFFC000  }
0x1b6: {  	v7 =	vld.msk [tilespmem:s16+$0x0], $0xff;
	_ =	sdelay $0x4  }
0x1b7: {  	v8 =	vshll.u32 v7, $0x4  }
0x1b8: {  	v7 =	vand.u32 $0x7, v7;
	v8 =	vand.u32 $0xFFFFFF80, v8  }
0x1b9: {  	v7 =	vor.u32 v7, v8  }
0x1ba: {  	v7 =	vperm.xlane v7, v4;
	_ =	sdelay $0x1  }
0x1bb: {  	v7 =	vadd.s32 v5, v7;
	_ =	sdelay $0x3  }
0x1bc: {  	s17 =	simm.s32 $0x16C00  }
0x1bd: {  	[hbm4b:s3+s4] =	stream.indirect_vreg.scatter [tilespmem:s17], [sflag:$0x7], $0x80, v7, vm0, $0xb8;
	[tilespmem:$0x1EC00] =	vst v63  }
0x1be: {  	s17 =	simm.s32 $0x17400  }
0x1bf: {  	[hbm4b:s6+s4] =	stream.indirect_vreg.scatter [tilespmem:s17], [sflag:$0x7], $0x80, v7, vm0, $0xb8;
	[tilespmem:$0x1EC00] =	vst v63  }
0x1c0: {  	s17 =	simm.s32 $0x17C00  }
0x1c1: {  	[hbm4b:s7+s4] =	stream.indirect_vreg.scatter [tilespmem:s17], [sflag:$0x7], $0x80, v7, vm0, $0xb8;
	[tilespmem:$0x1EC00] =	vst v63  }
0x1c2: {  	s17 =	simm.s32 $0x18400  }
0x1c3: {  	[hbm4b:s8+s4] =	stream.indirect_vreg.scatter [tilespmem:s17], [sflag:$0x7], $0x80, v7, vm0, $0xb8;
	[tilespmem:$0x1EC00] =	vst v63  }
0x1c4: {  	s17 =	simm.s32 $0x18C00  }
0x1c5: {  	[hbm4b:s9+s4] =	stream.indirect_vreg.scatter [tilespmem:s17], [sflag:$0x7], $0x80, v7, vm0, $0xb8;
	[tilespmem:$0x1EC00] =	vst v63  }
0x1c6: {  	s17 =	simm.s32 $0x19400  }
0x1c7: {  	[hbm4b:s10+s4] =	stream.indirect_vreg.scatter [tilespmem:s17], [sflag:$0x7], $0x80, v7, vm0, $0xb8;
	[tilespmem:$0x1EC00] =	vst v63  }
0x1c8: {  	s17 =	simm.s32 $0x19C00  }
0x1c9: {  	[hbm4b:s11+s4] =	stream.indirect_vreg.scatter [tilespmem:s17], [sflag:$0x7], $0x80, v7, vm0, $0xb8;
	[tilespmem:$0x1EC00] =	vst v63  }
0x1ca: {  	s17 =	simm.s32 $0x1A400  }
0x1cb: {  	[hbm4b:s12+s4] =	stream.indirect_vreg.scatter [tilespmem:s17], [sflag:$0x7], $0x80, v7, vm0, $0xb8;
	[tilespmem:$0x1EC00] =	vst v63  }
0x1cc: {  	s17 =	simm.s32 $0x4  }
0x1cd: {  	_ =	swait.ge [sflag:s17], $0x4000  }
0x1ce: {  	[sflag:s17] =	ssyncset.done $0x0  }
0x1cf: {  	[sflag:s17] =	ssyncadd.s32 $0xFFFFC000  }
0x1d0: {  	v7 =	vld.msk [tilespmem:s16+$0x80], $0xff;
	_ =	sdelay $0x4  }
0x1d1: {  	v8 =	vshll.u32 v7, $0x4  }
0x1d2: {  	v7 =	vand.u32 $0x7, v7;
	v8 =	vand.u32 $0xFFFFFF80, v8  }
0x1d3: {  	v7 =	vor.u32 v7, v8  }
0x1d4: {  	v7 =	vperm.xlane v7, v4;
	_ =	sdelay $0x1  }
0x1d5: {  	v7 =	vadd.s32 v5, v7;
	_ =	sdelay $0x3  }
0x1d6: {  	s17 =	simm.s32 $0x1AC00  }
0x1d7: {  	[hbm4b:s3+s4] =	stream.indirect_vreg.scatter [tilespmem:s17], [sflag:$0x8], $0x80, v7, vm0, $0xb8;
	[tilespmem:$0x1EC00] =	vst v63  }
0x1d8: {  	s25 =	simm.s32 $0x1B400  }
0x1d9: {  	[hbm4b:s6+s4] =	stream.indirect_vreg.scatter [tilespmem:s25], [sflag:$0x8], $0x80, v7, vm0, $0xb8;
	[tilespmem:$0x1EC00] =	vst v63  }
0x1da: {  	s17 =	simm.s32 $0x1BC00  }
0x1db: {  	[hbm4b:s7+s4] =	stream.indirect_vreg.scatter [tilespmem:s17], [sflag:$0x8], $0x80, v7, vm0, $0xb8;
	[tilespmem:$0x1EC00] =	vst v63  }
0x1dc: {  	s25 =	simm.s32 $0x1C400  }
0x1dd: {  	[hbm4b:s8+s4] =	stream.indirect_vreg.scatter [tilespmem:s25], [sflag:$0x8], $0x80, v7, vm0, $0xb8;
	[tilespmem:$0x1EC00] =	vst v63  }
0x1de: {  	s15 =	sadd.s32 $0xFFFFFFFF, s15;
	s0 =	rddreg [dreg:$0x4];
	s17 =	simm.s32 $0x1CC00  }
0x1df: {  	[hbm4b:s9+s4] =	stream.indirect_vreg.scatter [tilespmem:s17], [sflag:$0x8], $0x80, v7, vm0, $0xb8;
	[tilespmem:$0x1EC00] =	vst v63  }
0x1e0: {  	p0 =	sne.s32 s0, s15;
	s25 =	simm.s32 $0x1D400  }
0x1e1: {  	[hbm4b:s10+s4] =	stream.indirect_vreg.scatter [tilespmem:s25], [sflag:$0x8], $0x80, v7, vm0, $0xb8;
	[tilespmem:$0x1EC00] =	vst v63  }
.Ltmp8:
0x1e2: {  	_ = 	snop;
	(pc) =	sbr.rel @p0 .LBB2_11-.Ltmp8, $4  }
0x1e3: {  	s17 =	simm.s32 $0x1DC00  }
0x1e4: {  	[hbm4b:s11+s4] =	stream.indirect_vreg.scatter [tilespmem:s17], [sflag:$0x8], $0x80, v7, vm0, $0xb8;
	[tilespmem:$0x1EC00] =	vst v63  }
0x1e5: {  	s16 =	sadd.s32 $0x200, s16;
	s25 =	simm.s32 $0x1E400  }
0x1e6: {  	[hbm4b:s12+s4] =	stream.indirect_vreg.scatter [tilespmem:s25], [sflag:$0x8], $0x80, v7, vm0, $0xb8;
	[tilespmem:$0x1EC00] =	vst v63  }
0x1e7: {  	s0 =	simm.s32 $0x5  }
0x1e8: {  	_ =	swait.ge [sflag:s0], $0x4000  }
0x1e9: {  	[sflag:s0] =	ssyncset.done $0x0  }
0x1ea: {  	s29 =	simm.s32 $0x6;
	[sflag:s0] =	ssyncadd.s32 $0xFFFFC000  }
0x1eb: {  	_ =	swait.ge [sflag:s29], $0x4000  }
0x1ec: {  	[sflag:s29] =	ssyncset.done $0x0  }
0x1ed: {  	s30 =	simm.s32 $0x7;
	[sflag:s29] =	ssyncadd.s32 $0xFFFFC000  }
0x1ee: {  	_ =	swait.ge [sflag:s30], $0x4000  }
0x1ef: {  	[sflag:s30] =	ssyncset.done $0x0  }
0x1f0: {  	s31 =	simm.s32 $0x8;
	[sflag:s30] =	ssyncadd.s32 $0xFFFFC000  }
0x1f1: {  	_ =	swait.ge [sflag:s31], $0x4000  }
0x1f2: {  	[sflag:s31] =	ssyncset.done $0x0  }
0x1f3: {  	s25 =	rddreg [dreg:$0x10];
	[sflag:s31] =	ssyncadd.s32 $0xFFFFC000  }
.LBB2_13:
0x1f4: {  	p0 =	seq.s32 s25, $0x0  }
.Ltmp9:
0x1f5: {  	_ = 	snop;
	(pc) =	sbr.rel @p0 .LBB2_17-.Ltmp9, $2  }
0x1f6: {  	_ =	sdelay $0x2  }
0x1f7: {  	s15 =	rddreg [dreg:$0xf]  }
0x1f8: {  	p0 =	sne.s32 s25, $0x1  }
.Ltmp10:
0x1f9: {  	_ = 	snop;
	(pc) =	sbr.rel @!p0 .LBB2_16-.Ltmp10, $3  }
0x1fa: {  	_ =	sdelay $0x1  }
0x1fb: {  	_ =	swait.ge [sflag:s14], $0x8000  }
0x1fc: {  	s15 =	sadd.s32 $0xFFFFFFFF, s25;
	[sflag:s14] =	ssyncset.done $0x0  }
.LBB2_15:
0x1fd: {  	p0 =	sne.s32 s15, $0x1;
	s15 =	sadd.s32 $0xFFFFFFFF, s15;
	[sflag:s14] =	ssyncadd.s32 $0xFFFF8000  }
.Ltmp11:
0x1fe: {  	(pc) =	sbr.rel @p0 .LBB2_15-.Ltmp11, $3  }
0x1ff: {  	_ =	sdelay $0x1  }
0x200: {  	_ =	swait.ge [sflag:s14], $0x8000  }
0x201: {  	[sflag:s14] =	ssyncset.done $0x0  }
.Ltmp12:
0x202: {  	_ = 	snop;
	(pc) =	sbr.rel .LBB2_16-.Ltmp12, $1  }
0x203: {  	_ =	sdelay $0x3  }
.LBB2_18:
0x204: {  	_ =	sfence.sel $0x180000  }
0x205: {  	[bflag:$0x0] =	sbarrier.arrive $0xFFFF  }
0x206: {  	_ =	strace $0x90000047  }
0x207: {  	s0 =	stileid.u32;
	[bflag:$0x2] =	sbarrier.arrive $0xFFFF  }
0x208: {  	p0 =	sne.s32 s0, $0x0;
	s0 =	rddreg [dreg:$0x3]  }
0x209: {  	s0 =	sadd.s32 @!p0 $0x100000, s0  }
0x20a: {  	[sflag:s0] =	ssyncadd.tile.s32 @!p0 $0x1;
	_ =	shalt  }
.Lfunc_end2:
_tile_overlayer_lowered:
.L_overlay_start_2:
0x20b: {  	(tag) =	ssettag $0x2  }
0x20c: {  	s0 =	rddreg [dreg:$0x0];
	s2 =	stileid.u32  }
0x20d: {  	s1 =	rddreg [dreg:$0x1];
	p0 =	sne.s32 s2, $0x0  }
0x20e: {  	s3 =	rddreg [dreg:$0x2];
	[bflag:$0x3] =	sbarrier.arrive $0xFFFF;
	s2 =	simm.s32 @!p0 $0x1C0B  }
0x20f: {  	[timem:s3], [sflag:s2] =	dma.local @!p0 [hbm:s0], s1  }
0x210: {  	s0 =	simm.s32 @!p0 $0xB  }
0x211: {  	_ =	swait.ge @!p0 [sflag:s0], s1  }
0x212: {  	s1 =	ssub.s32 @!p0 $0x0, s1;
	[sflag:s0] =	ssyncset.done @!p0 $0x0  }
0x213: {  	[sflag:s0] =	ssyncadd.s32 @!p0 s1  }
0x214: {  	[bflag:$0x3] =	sbarrier.arrive $0xFFFF  }
0x215: {  	_ =	shalt  }

</sc_bundles>
